<compile_context>
chip_gen: v7x
topology: tpu7x:2x2x1
jax: 0.10.2.dev20260603
libtpu: 0.0.44.dev20260713+nightly
codegen_flags: <defaults>
</compile_context>

<pallas_src>
import functools

import jax
import jax.numpy as jnp
from jax import lax
from jax.experimental import pallas as pl
from jax.experimental.pallas import tpu as pltpu
from jax.experimental.pallas import tpu_sc as plsc

_BETA = 10.0
_L = 16


def _neg_sqrt_lanes(q):
    qc = jnp.maximum(q, jnp.float32(1e-20))
    bits = plsc.bitcast(qc, jnp.int32)
    seed = jnp.int32(0x5F3759DF) - lax.shift_right_logical(bits, 1)
    y = plsc.bitcast(seed, jnp.float32)
    half = jnp.float32(0.5) * qc
    y = y * (jnp.float32(1.5) - half * y * y)
    y = y * (half * y * y - jnp.float32(1.5))
    return q * y


def _make_sc_call(batch):
    info = plsc.get_sparse_core_info()
    nc, ns = info.num_cores, info.num_subcores
    nw = nc * ns
    rows = batch // nw
    n_chunks = rows // _L
    grp = rows // 128

    mesh = plsc.VectorSubcoreMesh(core_axis_name="c", subcore_axis_name="s")

    @functools.partial(
        pl.kernel,
        mesh=mesh,
        compiler_params=pltpu.CompilerParams(needs_layout_passes=False),
        out_type=jax.ShapeDtypeStruct((batch * 4,), jnp.float32),
        scratch_types=[
            pltpu.VMEM((5, rows), jnp.int32),
            pltpu.VMEM((2, rows), jnp.float32),
            pltpu.VMEM((2, rows), jnp.float32),
            pltpu.VMEM((128,), jnp.float32),
            pltpu.VMEM((rows * 4,), jnp.float32),
            pltpu.SemaphoreType.DMA,
        ],
    )
    def sc_call(stim_hbm, pg_hbm, kg_hbm, tbl_hbm, out_hbm,
                stim_v, pg_v, kg_v, tbl_v, out_v, sem):
        wid = lax.axis_index("s") * nc + lax.axis_index("c")
        base = wid * rows
        cps = [
            pltpu.make_async_copy(stim_hbm.at[:, pl.ds(base, rows)], stim_v, sem),
            pltpu.make_async_copy(pg_hbm.at[:, pl.ds(base, rows)], pg_v, sem),
            pltpu.make_async_copy(kg_hbm.at[:, pl.ds(base, rows)], kg_v, sem),
            pltpu.make_async_copy(tbl_hbm, tbl_v, sem),
        ]
        for cp in cps:
            cp.start()
        for cp in cps:
            cp.wait()

        wbase = jnp.full((_L,), 124, jnp.int32)
        w00 = plsc.load_gather(tbl_v, [wbase])
        w01 = plsc.load_gather(tbl_v, [wbase + 1])
        w10 = plsc.load_gather(tbl_v, [wbase + 2])
        w11 = plsc.load_gather(tbl_v, [wbase + 3])

        def chunk(i, carry):
            r0 = i * _L
            sidx = [stim_v[c, pl.ds(r0, _L)] for c in range(5)]
            pg0 = pg_v[0, pl.ds(r0, _L)]
            pg1 = pg_v[1, pl.ds(r0, _L)]
            kg0 = kg_v[0, pl.ds(r0, _L)]
            kg1 = kg_v[1, pl.ds(r0, _L)]

            zx, zy = [], []
            for c in range(5):
                b2 = sidx[c] * 2
                e0x = plsc.load_gather(tbl_v, [b2])
                e0y = plsc.load_gather(tbl_v, [b2 + 1])
                e1x = plsc.load_gather(tbl_v, [b2 + 62])
                e1y = plsc.load_gather(tbl_v, [b2 + 63])
                zx.append(pg0 * e0x + pg1 * e1x)
                zy.append(pg0 * e0y + pg1 * e1y)

            svals = []
            denom = None
            for t in range(1, 5):
                dx = zx[0] - zx[t]
                dy = zy[0] - zy[t]
                dx2 = dx * dx
                dy2 = dy * dy
                s0 = jnp.exp(_neg_sqrt_lanes(w00 * dx2 + w01 * dy2))
                s1 = jnp.exp(_neg_sqrt_lanes(w10 * dx2 + w11 * dy2))
                sv = kg0 * s0 + kg1 * s1
                svals.append(sv)
                denom = sv if denom is None else denom + sv

            inv = jnp.float32(1.0) / jnp.maximum(denom, jnp.float32(1e-12))
            o0 = (i // 8) * 512 + (i % 8) * _L
            for t in range(4):
                out_v[pl.ds(o0 + t * 128, _L)] = svals[t] * inv
            return carry

        lax.fori_loop(0, n_chunks, chunk, 0, unroll=2)
        pltpu.sync_copy(out_v, out_hbm.at[pl.ds(wid * (rows * 4), rows * 4)])

    return sc_call


@jax.jit
def kernel(stimulus_set, percept_gate_weights, kernel_gate_weights,
           emb0, emb1, w0, w1):
    batch = stimulus_set.shape[0]
    stim_t = stimulus_set.T
    pg_t = percept_gate_weights.T
    kg_t = kernel_gate_weights.T
    bb = jnp.float32(_BETA * _BETA)
    tbl = jnp.concatenate(
        [emb0.reshape(-1), emb1.reshape(-1), bb * w0, bb * w1])
    out_flat = _make_sc_call(batch)(stim_t, pg_t, kg_t, tbl)
    return (out_flat.reshape(batch // 128, 4, 128)
            .transpose(0, 2, 1).reshape(batch, 4))

# --- scband reference (transcript-rebuilt; emitter-appended) ---
"""Pipeline reference for scband-rank-model-c-38869454029482 (READ-ONLY COPY).

The authoritative reference and input builder live on the scoring server;
editing this copy changes nothing except your own understanding.
"""

import jax, jax.numpy as jnp
import numpy as np

BATCH = 16384
N_STIMULI = 30
N_DIM = 2
N_REF = 4
BETA = 10.0
TAU = 1.0
GAMMA = 0.0
RHO = 2.0


def setup_inputs(seed: int = 0) -> dict:
    key = jax.random.key(seed)
    k1, k2, k3, k4, k5 = jax.random.split(key, 5)
    # stimulus_set: col 0 = query, cols 1..4 = references; index 0 is the mask token
    stimulus_set = jax.random.randint(k1, (BATCH, N_REF + 1), 1, N_STIMULI + 1, dtype=jnp.int32)
    percept_gate_weights = jax.random.uniform(k2, (BATCH, 2), dtype=jnp.float32)
    kernel_gate_weights = jax.random.uniform(k3, (BATCH, 2), dtype=jnp.float32)
    # Embedding tables (n_stimuli + 1 rows for mask_zero=True)
    emb0 = jax.random.normal(k4, (N_STIMULI + 1, N_DIM), dtype=jnp.float32) * 0.1
    emb1 = jax.random.normal(k5, (N_STIMULI + 1, N_DIM), dtype=jnp.float32) * 0.1
    # Minkowski weight vectors (trainable) per kernel subnet
    w0 = jnp.array([1.2, 0.8], dtype=jnp.float32)
    w1 = jnp.array([0.7, 1.3], dtype=jnp.float32)
    return {
        "stimulus_set": stimulus_set,
        "percept_gate_weights": percept_gate_weights,
        "kernel_gate_weights": kernel_gate_weights,
        "emb0": emb0,
        "emb1": emb1,
        "w0": w0,
        "w1": w1,
    }


def _minkowski(zq, zr, w, rho):
    # zq: [B, 1, D], zr: [B, R, D], w: [D]
    return jnp.power(jnp.sum(w * jnp.power(jnp.abs(zq - zr), rho), axis=-1), 1.0 / rho)


def _exp_similarity(d):
    return jnp.exp(-BETA * jnp.power(d, TAU)) + GAMMA


def reference(stimulus_set, percept_gate_weights, kernel_gate_weights, emb0, emb1, w0, w1):
    # Percept BraidGate: blend the two embedding subnets per-trial.
    z0 = jnp.take(emb0, stimulus_set, axis=0)  # [B, 5, D]
    z1 = jnp.take(emb1, stimulus_set, axis=0)  # [B, 5, D]
    pg = percept_gate_weights
    z = pg[:, 0, None, None] * z0 + pg[:, 1, None, None] * z1  # [B, 5, D]
    zq = z[:, 0:1, :]   # query  [B, 1, D]
    zr = z[:, 1:, :]    # refs   [B, 4, D]
    # Kernel BraidGate: two DistanceBased kernels sharing ExponentialSimilarity.
    s0 = _exp_similarity(_minkowski(zq, zr, w0, RHO))  # [B, 4]
    s1 = _exp_similarity(_minkowski(zq, zr, w1, RHO))  # [B, 4]
    kg = kernel_gate_weights
    s = kg[:, 0, None] * s0 + kg[:, 1, None] * s1  # [B, 4]
    # mask_zero=True: masked references contribute zero similarity
    ref_mask = (stimulus_set[:, 1:] != 0).astype(s.dtype)
    s = s * ref_mask
    # RankSimilarity, n_select=1: Luce choice probability over the 4 references.
    denom = jnp.sum(s, axis=-1, keepdims=True)
    prob = s / jnp.maximum(denom, 1e-12)
    return prob  # [B, 4]

if __name__ == "__main__":
    import jax
    _d = setup_inputs()
    print(jax.jit(kernel)(*tuple(_d.values())))

</pallas_src>

<mosaic_0001>
#map = affine_map<(d0, d1) -> (0, 0)>
#map1 = affine_map<(d0, d1) -> (0)>
module attributes {stable_mosaic.version = 14 : i64} {
  func.func @sc_call(%arg0: i32, %arg1: i32, %arg2: memref<5x16384xi32, #tpu.memory_space<hbm>>, %arg3: memref<2x16384xf32, #tpu.memory_space<hbm>>, %arg4: memref<2x16384xf32, #tpu.memory_space<hbm>>, %arg5: memref<128xf32, #tpu.memory_space<hbm>>, %arg6: memref<65536xf32, #tpu.memory_space<hbm>>, %arg7: memref<5x512xi32, #tpu.memory_space<vmem>>, %arg8: memref<2x512xf32, #tpu.memory_space<vmem>>, %arg9: memref<2x512xf32, #tpu.memory_space<vmem>>, %arg10: memref<128xf32, #tpu.memory_space<vmem>>, %arg11: memref<2048xf32, #tpu.memory_space<vmem>>, %arg12: memref<!tpu.dma_semaphore, #tpu.memory_space<semaphore_mem>>) attributes {dimension_semantics = [#tpu.dimension_semantics<core_parallel>, #tpu.dimension_semantics<subcore_parallel>], iteration_bounds = array<i64: 2, 16>, scalar_prefetch = 0 : i64, scratch_operands = 6 : i64, tpu.core_type = #tpu.core_type<sc_vector_subcore>, window_params = [{transform_indices = #map}, {transform_indices = #map}, {transform_indices = #map}, {transform_indices = #map1}, {transform_indices = #map1}]} {
    %mul3A = arith.constant 2 : i32
    %mul3A_0 = arith.muli %arg1, %mul3A : i32
    %add3A = arith.addi %mul3A_0, %arg0 : i32
    %mul3A_1 = arith.constant 512 : i32
    %mul3A_2 = arith.muli %add3A, %mul3A_1 : i32
    %dma_start3A = arith.constant 0 : i32
    %dma_start3A_3 = tpu.memref_slice %arg2[%dma_start3A, %mul3A_2] : memref<5x16384xi32, #tpu.memory_space<hbm>> -> memref<5x512xi32, #tpu.memory_space<hbm>>
    %dma_start3A_4 = arith.constant 0 : i32
    %dma_start3A_5 = tpu.memref_slice %arg2[%dma_start3A_4, %mul3A_2] : memref<5x16384xi32, #tpu.memory_space<hbm>> -> memref<5x512xi32, #tpu.memory_space<hbm>>
    tpu.enqueue_dma source(%dma_start3A_5 : memref<5x512xi32, #tpu.memory_space<hbm>>) target(%arg7 : memref<5x512xi32, #tpu.memory_space<vmem>>) target_semaphore(%arg12 : memref<!tpu.dma_semaphore, #tpu.memory_space<semaphore_mem>>)
    %dma_start3A_6 = arith.constant 0 : i32
    %dma_start3A_7 = tpu.memref_slice %arg3[%dma_start3A_6, %mul3A_2] : memref<2x16384xf32, #tpu.memory_space<hbm>> -> memref<2x512xf32, #tpu.memory_space<hbm>>
    %dma_start3A_8 = arith.constant 0 : i32
    %dma_start3A_9 = tpu.memref_slice %arg3[%dma_start3A_8, %mul3A_2] : memref<2x16384xf32, #tpu.memory_space<hbm>> -> memref<2x512xf32, #tpu.memory_space<hbm>>
    tpu.enqueue_dma source(%dma_start3A_9 : memref<2x512xf32, #tpu.memory_space<hbm>>) target(%arg8 : memref<2x512xf32, #tpu.memory_space<vmem>>) target_semaphore(%arg12 : memref<!tpu.dma_semaphore, #tpu.memory_space<semaphore_mem>>)
    %dma_start3A_10 = arith.constant 0 : i32
    %dma_start3A_11 = tpu.memref_slice %arg4[%dma_start3A_10, %mul3A_2] : memref<2x16384xf32, #tpu.memory_space<hbm>> -> memref<2x512xf32, #tpu.memory_space<hbm>>
    %dma_start3A_12 = arith.constant 0 : i32
    %dma_start3A_13 = tpu.memref_slice %arg4[%dma_start3A_12, %mul3A_2] : memref<2x16384xf32, #tpu.memory_space<hbm>> -> memref<2x512xf32, #tpu.memory_space<hbm>>
    tpu.enqueue_dma source(%dma_start3A_13 : memref<2x512xf32, #tpu.memory_space<hbm>>) target(%arg9 : memref<2x512xf32, #tpu.memory_space<vmem>>) target_semaphore(%arg12 : memref<!tpu.dma_semaphore, #tpu.memory_space<semaphore_mem>>)
    tpu.enqueue_dma source(%arg5 : memref<128xf32, #tpu.memory_space<hbm>>) target(%arg10 : memref<128xf32, #tpu.memory_space<vmem>>) target_semaphore(%arg12 : memref<!tpu.dma_semaphore, #tpu.memory_space<semaphore_mem>>)
    %dma_wait3A = arith.constant 0 : i32
    %dma_wait3A_14 = tpu.memref_slice %arg2[%dma_wait3A, %mul3A_2] : memref<5x16384xi32, #tpu.memory_space<hbm>> -> memref<5x512xi32, #tpu.memory_space<hbm>>
    %dma_wait3A_15 = arith.constant 0 : i32
    %dma_wait3A_16 = tpu.memref_slice %arg2[%dma_wait3A_15, %mul3A_2] : memref<5x16384xi32, #tpu.memory_space<hbm>> -> memref<5x512xi32, #tpu.memory_space<hbm>>
    tpu.wait_dma2 semaphore(%arg12 : memref<!tpu.dma_semaphore, #tpu.memory_space<semaphore_mem>>) src(%dma_wait3A_16 : memref<5x512xi32, #tpu.memory_space<hbm>>) dst(%arg7 : memref<5x512xi32, #tpu.memory_space<vmem>>)
    %dma_wait3A_17 = arith.constant 0 : i32
    %dma_wait3A_18 = tpu.memref_slice %arg3[%dma_wait3A_17, %mul3A_2] : memref<2x16384xf32, #tpu.memory_space<hbm>> -> memref<2x512xf32, #tpu.memory_space<hbm>>
    %dma_wait3A_19 = arith.constant 0 : i32
    %dma_wait3A_20 = tpu.memref_slice %arg3[%dma_wait3A_19, %mul3A_2] : memref<2x16384xf32, #tpu.memory_space<hbm>> -> memref<2x512xf32, #tpu.memory_space<hbm>>
    tpu.wait_dma2 semaphore(%arg12 : memref<!tpu.dma_semaphore, #tpu.memory_space<semaphore_mem>>) src(%dma_wait3A_20 : memref<2x512xf32, #tpu.memory_space<hbm>>) dst(%arg8 : memref<2x512xf32, #tpu.memory_space<vmem>>)
    %dma_wait3A_21 = arith.constant 0 : i32
    %dma_wait3A_22 = tpu.memref_slice %arg4[%dma_wait3A_21, %mul3A_2] : memref<2x16384xf32, #tpu.memory_space<hbm>> -> memref<2x512xf32, #tpu.memory_space<hbm>>
    %dma_wait3A_23 = arith.constant 0 : i32
    %dma_wait3A_24 = tpu.memref_slice %arg4[%dma_wait3A_23, %mul3A_2] : memref<2x16384xf32, #tpu.memory_space<hbm>> -> memref<2x512xf32, #tpu.memory_space<hbm>>
    tpu.wait_dma2 semaphore(%arg12 : memref<!tpu.dma_semaphore, #tpu.memory_space<semaphore_mem>>) src(%dma_wait3A_24 : memref<2x512xf32, #tpu.memory_space<hbm>>) dst(%arg9 : memref<2x512xf32, #tpu.memory_space<vmem>>)
    tpu.wait_dma2 semaphore(%arg12 : memref<!tpu.dma_semaphore, #tpu.memory_space<semaphore_mem>>) src(%arg5 : memref<128xf32, #tpu.memory_space<hbm>>) dst(%arg10 : memref<128xf32, #tpu.memory_space<vmem>>)
    %broadcast_in_dim3A = arith.constant 124 : i32
    %broadcast_in_dim3A_25 = vector.broadcast %broadcast_in_dim3A : i32 to vector<16xi32>
    %gather3A = tpu.vector_load_idx %arg10[%broadcast_in_dim3A_25] : memref<128xf32, #tpu.memory_space<vmem>>[vector<16xi32>], vector<16xf32>,
    %add3A_26 = arith.constant 1 : i32
    %add3A_27 = vector.broadcast %add3A_26 : i32 to vector<16xi32>
    %add3A_28 = arith.addi %broadcast_in_dim3A_25, %add3A_27 : vector<16xi32>
    %gather3A_29 = tpu.vector_load_idx %arg10[%add3A_28] : memref<128xf32, #tpu.memory_space<vmem>>[vector<16xi32>], vector<16xf32>,
    %add3A_30 = arith.constant 2 : i32
    %add3A_31 = vector.broadcast %add3A_30 : i32 to vector<16xi32>
    %add3A_32 = arith.addi %broadcast_in_dim3A_25, %add3A_31 : vector<16xi32>
    %gather3A_33 = tpu.vector_load_idx %arg10[%add3A_32] : memref<128xf32, #tpu.memory_space<vmem>>[vector<16xi32>], vector<16xf32>,
    %add3A_34 = arith.constant 3 : i32
    %add3A_35 = vector.broadcast %add3A_34 : i32 to vector<16xi32>
    %add3A_36 = arith.addi %broadcast_in_dim3A_25, %add3A_35 : vector<16xi32>
    %gather3A_37 = tpu.vector_load_idx %arg10[%add3A_36] : memref<128xf32, #tpu.memory_space<vmem>>[vector<16xi32>], vector<16xf32>,
    %scan3A = arith.constant 0 : i32
    %scan3A_38 = arith.constant 0 : i32
    %scan3A_39 = arith.constant 32 : i32
    %scan3A_40 = arith.addi %scan3A_38, %scan3A_39 : i32
    %scan3A_41 = arith.constant 2 : i32
    scf.for %scan3A_45 = %scan3A_38 to %scan3A_40 step %scan3A_41  : i32 {
      %mul3A_46 = arith.constant 16 : i32
      %mul3A_47 = arith.muli %scan3A_45, %mul3A_46 : i32
      %get3A = arith.constant 0 : i32
      %get3A_48 = arith.index_cast %get3A : i32 to index
      %get3A_49 = arith.index_cast %mul3A_47 : i32 to index
      %get3A_50 = tpu.vector_load %arg7[%get3A_48, %get3A_49] {strides = array<i32>} : memref<5x512xi32, #tpu.memory_space<vmem>>, vector<16xi32>,
      %get3A_51 = arith.constant 1 : i32
      %get3A_52 = arith.index_cast %get3A_51 : i32 to index
      %get3A_53 = arith.index_cast %mul3A_47 : i32 to index
      %get3A_54 = tpu.vector_load %arg7[%get3A_52, %get3A_53] {strides = array<i32>} : memref<5x512xi32, #tpu.memory_space<vmem>>, vector<16xi32>,
      %get3A_55 = arith.constant 2 : i32
      %get3A_56 = arith.index_cast %get3A_55 : i32 to index
      %get3A_57 = arith.index_cast %mul3A_47 : i32 to index
      %get3A_58 = tpu.vector_load %arg7[%get3A_56, %get3A_57] {strides = array<i32>} : memref<5x512xi32, #tpu.memory_space<vmem>>, vector<16xi32>,
      %get3A_59 = arith.constant 3 : i32
      %get3A_60 = arith.index_cast %get3A_59 : i32 to index
      %get3A_61 = arith.index_cast %mul3A_47 : i32 to index
      %get3A_62 = tpu.vector_load %arg7[%get3A_60, %get3A_61] {strides = array<i32>} : memref<5x512xi32, #tpu.memory_space<vmem>>, vector<16xi32>,
      %get3A_63 = arith.constant 4 : i32
      %get3A_64 = arith.index_cast %get3A_63 : i32 to index
      %get3A_65 = arith.index_cast %mul3A_47 : i32 to index
      %get3A_66 = tpu.vector_load %arg7[%get3A_64, %get3A_65] {strides = array<i32>} : memref<5x512xi32, #tpu.memory_space<vmem>>, vector<16xi32>,
      %get3A_67 = arith.constant 0 : i32
      %get3A_68 = arith.index_cast %get3A_67 : i32 to index
      %get3A_69 = arith.index_cast %mul3A_47 : i32 to index
      %get3A_70 = tpu.vector_load %arg8[%get3A_68, %get3A_69] {strides = array<i32>} : memref<2x512xf32, #tpu.memory_space<vmem>>, vector<16xf32>,
      %get3A_71 = arith.constant 1 : i32
      %get3A_72 = arith.index_cast %get3A_71 : i32 to index
      %get3A_73 = arith.index_cast %mul3A_47 : i32 to index
      %get3A_74 = tpu.vector_load %arg8[%get3A_72, %get3A_73] {strides = array<i32>} : memref<2x512xf32, #tpu.memory_space<vmem>>, vector<16xf32>,
      %get3A_75 = arith.constant 0 : i32
      %get3A_76 = arith.index_cast %get3A_75 : i32 to index
      %get3A_77 = arith.index_cast %mul3A_47 : i32 to index
      %get3A_78 = tpu.vector_load %arg9[%get3A_76, %get3A_77] {strides = array<i32>} : memref<2x512xf32, #tpu.memory_space<vmem>>, vector<16xf32>,
      %get3A_79 = arith.constant 1 : i32
      %get3A_80 = arith.index_cast %get3A_79 : i32 to index
      %get3A_81 = arith.index_cast %mul3A_47 : i32 to index
      %get3A_82 = tpu.vector_load %arg9[%get3A_80, %get3A_81] {strides = array<i32>} : memref<2x512xf32, #tpu.memory_space<vmem>>, vector<16xf32>,
      %mul3A_83 = arith.constant 2 : i32
      %mul3A_84 = vector.broadcast %mul3A_83 : i32 to vector<16xi32>
      %mul3A_85 = arith.muli %get3A_50, %mul3A_84 : vector<16xi32>
      %gather3A_86 = tpu.vector_load_idx %arg10[%mul3A_85] : memref<128xf32, #tpu.memory_space<vmem>>[vector<16xi32>], vector<16xf32>,
      %add3A_87 = arith.constant 1 : i32
      %add3A_88 = vector.broadcast %add3A_87 : i32 to vector<16xi32>
      %add3A_89 = arith.addi %mul3A_85, %add3A_88 : vector<16xi32>
      %gather3A_90 = tpu.vector_load_idx %arg10[%add3A_89] : memref<128xf32, #tpu.memory_space<vmem>>[vector<16xi32>], vector<16xf32>,
      %add3A_91 = arith.constant 62 : i32
      %add3A_92 = vector.broadcast %add3A_91 : i32 to vector<16xi32>
      %add3A_93 = arith.addi %mul3A_85, %add3A_92 : vector<16xi32>
      %gather3A_94 = tpu.vector_load_idx %arg10[%add3A_93] : memref<128xf32, #tpu.memory_space<vmem>>[vector<16xi32>], vector<16xf32>,
      %add3A_95 = arith.constant 63 : i32
      %add3A_96 = vector.broadcast %add3A_95 : i32 to vector<16xi32>
      %add3A_97 = arith.addi %mul3A_85, %add3A_96 : vector<16xi32>
      %gather3A_98 = tpu.vector_load_idx %arg10[%add3A_97] : memref<128xf32, #tpu.memory_space<vmem>>[vector<16xi32>], vector<16xf32>,
      %mul3A_99 = arith.mulf %get3A_70, %gather3A_86 : vector<16xf32>
      %mul3A_100 = arith.mulf %get3A_74, %gather3A_94 : vector<16xf32>
      %add3A_101 = arith.addf %mul3A_99, %mul3A_100 : vector<16xf32>
      %mul3A_102 = arith.mulf %get3A_70, %gather3A_90 : vector<16xf32>
      %mul3A_103 = arith.mulf %get3A_74, %gather3A_98 : vector<16xf32>
      %add3A_104 = arith.addf %mul3A_102, %mul3A_103 : vector<16xf32>
      %mul3A_105 = arith.constant 2 : i32
      %mul3A_106 = vector.broadcast %mul3A_105 : i32 to vector<16xi32>
      %mul3A_107 = arith.muli %get3A_54, %mul3A_106 : vector<16xi32>
      %gather3A_108 = tpu.vector_load_idx %arg10[%mul3A_107] : memref<128xf32, #tpu.memory_space<vmem>>[vector<16xi32>], vector<16xf32>,
      %add3A_109 = arith.constant 1 : i32
      %add3A_110 = vector.broadcast %add3A_109 : i32 to vector<16xi32>
      %add3A_111 = arith.addi %mul3A_107, %add3A_110 : vector<16xi32>
      %gather3A_112 = tpu.vector_load_idx %arg10[%add3A_111] : memref<128xf32, #tpu.memory_space<vmem>>[vector<16xi32>], vector<16xf32>,
      %add3A_113 = arith.constant 62 : i32
      %add3A_114 = vector.broadcast %add3A_113 : i32 to vector<16xi32>
      %add3A_115 = arith.addi %mul3A_107, %add3A_114 : vector<16xi32>
      %gather3A_116 = tpu.vector_load_idx %arg10[%add3A_115] : memref<128xf32, #tpu.memory_space<vmem>>[vector<16xi32>], vector<16xf32>,
      %add3A_117 = arith.constant 63 : i32
      %add3A_118 = vector.broadcast %add3A_117 : i32 to vector<16xi32>
      %add3A_119 = arith.addi %mul3A_107, %add3A_118 : vector<16xi32>
      %gather3A_120 = tpu.vector_load_idx %arg10[%add3A_119] : memref<128xf32, #tpu.memory_space<vmem>>[vector<16xi32>], vector<16xf32>,
      %mul3A_121 = arith.mulf %get3A_70, %gather3A_108 : vector<16xf32>
      %mul3A_122 = arith.mulf %get3A_74, %gather3A_116 : vector<16xf32>
      %add3A_123 = arith.addf %mul3A_121, %mul3A_122 : vector<16xf32>
      %mul3A_124 = arith.mulf %get3A_70, %gather3A_112 : vector<16xf32>
      %mul3A_125 = arith.mulf %get3A_74, %gather3A_120 : vector<16xf32>
      %add3A_126 = arith.addf %mul3A_124, %mul3A_125 : vector<16xf32>
      %mul3A_127 = arith.constant 2 : i32
      %mul3A_128 = vector.broadcast %mul3A_127 : i32 to vector<16xi32>
      %mul3A_129 = arith.muli %get3A_58, %mul3A_128 : vector<16xi32>
      %gather3A_130 = tpu.vector_load_idx %arg10[%mul3A_129] : memref<128xf32, #tpu.memory_space<vmem>>[vector<16xi32>], vector<16xf32>,
      %add3A_131 = arith.constant 1 : i32
      %add3A_132 = vector.broadcast %add3A_131 : i32 to vector<16xi32>
      %add3A_133 = arith.addi %mul3A_129, %add3A_132 : vector<16xi32>
      %gather3A_134 = tpu.vector_load_idx %arg10[%add3A_133] : memref<128xf32, #tpu.memory_space<vmem>>[vector<16xi32>], vector<16xf32>,
      %add3A_135 = arith.constant 62 : i32
      %add3A_136 = vector.broadcast %add3A_135 : i32 to vector<16xi32>
      %add3A_137 = arith.addi %mul3A_129, %add3A_136 : vector<16xi32>
      %gather3A_138 = tpu.vector_load_idx %arg10[%add3A_137] : memref<128xf32, #tpu.memory_space<vmem>>[vector<16xi32>], vector<16xf32>,
      %add3A_139 = arith.constant 63 : i32
      %add3A_140 = vector.broadcast %add3A_139 : i32 to vector<16xi32>
      %add3A_141 = arith.addi %mul3A_129, %add3A_140 : vector<16xi32>
      %gather3A_142 = tpu.vector_load_idx %arg10[%add3A_141] : memref<128xf32, #tpu.memory_space<vmem>>[vector<16xi32>], vector<16xf32>,
      %mul3A_143 = arith.mulf %get3A_70, %gather3A_130 : vector<16xf32>
      %mul3A_144 = arith.mulf %get3A_74, %gather3A_138 : vector<16xf32>
      %add3A_145 = arith.addf %mul3A_143, %mul3A_144 : vector<16xf32>
      %mul3A_146 = arith.mulf %get3A_70, %gather3A_134 : vector<16xf32>
      %mul3A_147 = arith.mulf %get3A_74, %gather3A_142 : vector<16xf32>
      %add3A_148 = arith.addf %mul3A_146, %mul3A_147 : vector<16xf32>
      %mul3A_149 = arith.constant 2 : i32
      %mul3A_150 = vector.broadcast %mul3A_149 : i32 to vector<16xi32>
      %mul3A_151 = arith.muli %get3A_62, %mul3A_150 : vector<16xi32>
      %gather3A_152 = tpu.vector_load_idx %arg10[%mul3A_151] : memref<128xf32, #tpu.memory_space<vmem>>[vector<16xi32>], vector<16xf32>,
      %add3A_153 = arith.constant 1 : i32
      %add3A_154 = vector.broadcast %add3A_153 : i32 to vector<16xi32>
      %add3A_155 = arith.addi %mul3A_151, %add3A_154 : vector<16xi32>
      %gather3A_156 = tpu.vector_load_idx %arg10[%add3A_155] : memref<128xf32, #tpu.memory_space<vmem>>[vector<16xi32>], vector<16xf32>,
      %add3A_157 = arith.constant 62 : i32
      %add3A_158 = vector.broadcast %add3A_157 : i32 to vector<16xi32>
      %add3A_159 = arith.addi %mul3A_151, %add3A_158 : vector<16xi32>
      %gather3A_160 = tpu.vector_load_idx %arg10[%add3A_159] : memref<128xf32, #tpu.memory_space<vmem>>[vector<16xi32>], vector<16xf32>,
      %add3A_161 = arith.constant 63 : i32
      %add3A_162 = vector.broadcast %add3A_161 : i32 to vector<16xi32>
      %add3A_163 = arith.addi %mul3A_151, %add3A_162 : vector<16xi32>
      %gather3A_164 = tpu.vector_load_idx %arg10[%add3A_163] : memref<128xf32, #tpu.memory_space<vmem>>[vector<16xi32>], vector<16xf32>,
      %mul3A_165 = arith.mulf %get3A_70, %gather3A_152 : vector<16xf32>
      %mul3A_166 = arith.mulf %get3A_74, %gather3A_160 : vector<16xf32>
      %add3A_167 = arith.addf %mul3A_165, %mul3A_166 : vector<16xf32>
      %mul3A_168 = arith.mulf %get3A_70, %gather3A_156 : vector<16xf32>
      %mul3A_169 = arith.mulf %get3A_74, %gather3A_164 : vector<16xf32>
      %add3A_170 = arith.addf %mul3A_168, %mul3A_169 : vector<16xf32>
      %mul3A_171 = arith.constant 2 : i32
      %mul3A_172 = vector.broadcast %mul3A_171 : i32 to vector<16xi32>
      %mul3A_173 = arith.muli %get3A_66, %mul3A_172 : vector<16xi32>
      %gather3A_174 = tpu.vector_load_idx %arg10[%mul3A_173] : memref<128xf32, #tpu.memory_space<vmem>>[vector<16xi32>], vector<16xf32>,
      %add3A_175 = arith.constant 1 : i32
      %add3A_176 = vector.broadcast %add3A_175 : i32 to vector<16xi32>
      %add3A_177 = arith.addi %mul3A_173, %add3A_176 : vector<16xi32>
      %gather3A_178 = tpu.vector_load_idx %arg10[%add3A_177] : memref<128xf32, #tpu.memory_space<vmem>>[vector<16xi32>], vector<16xf32>,
      %add3A_179 = arith.constant 62 : i32
      %add3A_180 = vector.broadcast %add3A_179 : i32 to vector<16xi32>
      %add3A_181 = arith.addi %mul3A_173, %add3A_180 : vector<16xi32>
      %gather3A_182 = tpu.vector_load_idx %arg10[%add3A_181] : memref<128xf32, #tpu.memory_space<vmem>>[vector<16xi32>], vector<16xf32>,
      %add3A_183 = arith.constant 63 : i32
      %add3A_184 = vector.broadcast %add3A_183 : i32 to vector<16xi32>
      %add3A_185 = arith.addi %mul3A_173, %add3A_184 : vector<16xi32>
      %gather3A_186 = tpu.vector_load_idx %arg10[%add3A_185] : memref<128xf32, #tpu.memory_space<vmem>>[vector<16xi32>], vector<16xf32>,
      %mul3A_187 = arith.mulf %get3A_70, %gather3A_174 : vector<16xf32>
      %mul3A_188 = arith.mulf %get3A_74, %gather3A_182 : vector<16xf32>
      %add3A_189 = arith.addf %mul3A_187, %mul3A_188 : vector<16xf32>
      %mul3A_190 = arith.mulf %get3A_70, %gather3A_178 : vector<16xf32>
      %mul3A_191 = arith.mulf %get3A_74, %gather3A_186 : vector<16xf32>
      %add3A_192 = arith.addf %mul3A_190, %mul3A_191 : vector<16xf32>
      %sub3A = arith.subf %add3A_101, %add3A_123 : vector<16xf32>
      %sub3A_193 = arith.subf %add3A_104, %add3A_126 : vector<16xf32>
      %mul3A_194 = arith.mulf %sub3A, %sub3A : vector<16xf32>
      %mul3A_195 = arith.mulf %sub3A_193, %sub3A_193 : vector<16xf32>
      %mul3A_196 = arith.mulf %gather3A, %mul3A_194 : vector<16xf32>
      %mul3A_197 = arith.mulf %gather3A_29, %mul3A_195 : vector<16xf32>
      %add3A_198 = arith.addf %mul3A_196, %mul3A_197 : vector<16xf32>
      %max3A = arith.constant 9.99999968E-21 : f32
      %max3A_199 = vector.broadcast %max3A : f32 to vector<16xf32>
      %max3A_200 = arith.maximumf %add3A_198, %max3A_199 : vector<16xf32>
      %bitcast3A = vector.bitcast %max3A_200 : vector<16xf32> to vector<16xi32>
      %shift_right_logical3A = arith.constant 1 : i32
      %shift_right_logical3A_201 = vector.broadcast %shift_right_logical3A : i32 to vector<16xi32>
      %shift_right_logical3A_202 = arith.shrui %bitcast3A, %shift_right_logical3A_201 : vector<16xi32>
      %sub3A_203 = arith.constant 1597463007 : i32
      %sub3A_204 = vector.broadcast %sub3A_203 : i32 to vector<16xi32>
      %sub3A_205 = arith.subi %sub3A_204, %shift_right_logical3A_202 : vector<16xi32>
      %bitcast3A_206 = vector.bitcast %sub3A_205 : vector<16xi32> to vector<16xf32>
      %mul3A_207 = arith.constant 5.000000e-01 : f32
      %mul3A_208 = vector.broadcast %mul3A_207 : f32 to vector<16xf32>
      %mul3A_209 = arith.mulf %mul3A_208, %max3A_200 : vector<16xf32>
      %mul3A_210 = arith.mulf %mul3A_209, %bitcast3A_206 : vector<16xf32>
      %mul3A_211 = arith.mulf %mul3A_210, %bitcast3A_206 : vector<16xf32>
      %sub3A_212 = arith.constant 1.500000e+00 : f32
      %sub3A_213 = vector.broadcast %sub3A_212 : f32 to vector<16xf32>
      %sub3A_214 = arith.subf %sub3A_213, %mul3A_211 : vector<16xf32>
      %mul3A_215 = arith.mulf %bitcast3A_206, %sub3A_214 : vector<16xf32>
      %mul3A_216 = arith.mulf %mul3A_209, %mul3A_215 : vector<16xf32>
      %mul3A_217 = arith.mulf %mul3A_216, %mul3A_215 : vector<16xf32>
      %sub3A_218 = arith.constant 1.500000e+00 : f32
      %sub3A_219 = vector.broadcast %sub3A_218 : f32 to vector<16xf32>
      %sub3A_220 = arith.subf %mul3A_217, %sub3A_219 : vector<16xf32>
      %mul3A_221 = arith.mulf %mul3A_215, %sub3A_220 : vector<16xf32>
      %mul3A_222 = arith.mulf %add3A_198, %mul3A_221 : vector<16xf32>
      %exp3A = math.exp %mul3A_222 : vector<16xf32>
      %mul3A_223 = arith.mulf %gather3A_33, %mul3A_194 : vector<16xf32>
      %mul3A_224 = arith.mulf %gather3A_37, %mul3A_195 : vector<16xf32>
      %add3A_225 = arith.addf %mul3A_223, %mul3A_224 : vector<16xf32>
      %max3A_226 = arith.constant 9.99999968E-21 : f32
      %max3A_227 = vector.broadcast %max3A_226 : f32 to vector<16xf32>
      %max3A_228 = arith.maximumf %add3A_225, %max3A_227 : vector<16xf32>
      %bitcast3A_229 = vector.bitcast %max3A_228 : vector<16xf32> to vector<16xi32>
      %shift_right_logical3A_230 = arith.constant 1 : i32
      %shift_right_logical3A_231 = vector.broadcast %shift_right_logical3A_230 : i32 to vector<16xi32>
      %shift_right_logical3A_232 = arith.shrui %bitcast3A_229, %shift_right_logical3A_231 : vector<16xi32>
      %sub3A_233 = arith.constant 1597463007 : i32
      %sub3A_234 = vector.broadcast %sub3A_233 : i32 to vector<16xi32>
      %sub3A_235 = arith.subi %sub3A_234, %shift_right_logical3A_232 : vector<16xi32>
      %bitcast3A_236 = vector.bitcast %sub3A_235 : vector<16xi32> to vector<16xf32>
      %mul3A_237 = arith.constant 5.000000e-01 : f32
      %mul3A_238 = vector.broadcast %mul3A_237 : f32 to vector<16xf32>
      %mul3A_239 = arith.mulf %mul3A_238, %max3A_228 : vector<16xf32>
      %mul3A_240 = arith.mulf %mul3A_239, %bitcast3A_236 : vector<16xf32>
      %mul3A_241 = arith.mulf %mul3A_240, %bitcast3A_236 : vector<16xf32>
      %sub3A_242 = arith.constant 1.500000e+00 : f32
      %sub3A_243 = vector.broadcast %sub3A_242 : f32 to vector<16xf32>
      %sub3A_244 = arith.subf %sub3A_243, %mul3A_241 : vector<16xf32>
      %mul3A_245 = arith.mulf %bitcast3A_236, %sub3A_244 : vector<16xf32>
      %mul3A_246 = arith.mulf %mul3A_239, %mul3A_245 : vector<16xf32>
      %mul3A_247 = arith.mulf %mul3A_246, %mul3A_245 : vector<16xf32>
      %sub3A_248 = arith.constant 1.500000e+00 : f32
      %sub3A_249 = vector.broadcast %sub3A_248 : f32 to vector<16xf32>
      %sub3A_250 = arith.subf %mul3A_247, %sub3A_249 : vector<16xf32>
      %mul3A_251 = arith.mulf %mul3A_245, %sub3A_250 : vector<16xf32>
      %mul3A_252 = arith.mulf %add3A_225, %mul3A_251 : vector<16xf32>
      %exp3A_253 = math.exp %mul3A_252 : vector<16xf32>
      %mul3A_254 = arith.mulf %get3A_78, %exp3A : vector<16xf32>
      %mul3A_255 = arith.mulf %get3A_82, %exp3A_253 : vector<16xf32>
      %add3A_256 = arith.addf %mul3A_254, %mul3A_255 : vector<16xf32>
      %sub3A_257 = arith.subf %add3A_101, %add3A_145 : vector<16xf32>
      %sub3A_258 = arith.subf %add3A_104, %add3A_148 : vector<16xf32>
      %mul3A_259 = arith.mulf %sub3A_257, %sub3A_257 : vector<16xf32>
      %mul3A_260 = arith.mulf %sub3A_258, %sub3A_258 : vector<16xf32>
      %mul3A_261 = arith.mulf %gather3A, %mul3A_259 : vector<16xf32>
      %mul3A_262 = arith.mulf %gather3A_29, %mul3A_260 : vector<16xf32>
      %add3A_263 = arith.addf %mul3A_261, %mul3A_262 : vector<16xf32>
      %max3A_264 = arith.constant 9.99999968E-21 : f32
      %max3A_265 = vector.broadcast %max3A_264 : f32 to vector<16xf32>
      %max3A_266 = arith.maximumf %add3A_263, %max3A_265 : vector<16xf32>
      %bitcast3A_267 = vector.bitcast %max3A_266 : vector<16xf32> to vector<16xi32>
      %shift_right_logical3A_268 = arith.constant 1 : i32
      %shift_right_logical3A_269 = vector.broadcast %shift_right_logical3A_268 : i32 to vector<16xi32>
      %shift_right_logical3A_270 = arith.shrui %bitcast3A_267, %shift_right_logical3A_269 : vector<16xi32>
      %sub3A_271 = arith.constant 1597463007 : i32
      %sub3A_272 = vector.broadcast %sub3A_271 : i32 to vector<16xi32>
      %sub3A_273 = arith.subi %sub3A_272, %shift_right_logical3A_270 : vector<16xi32>
      %bitcast3A_274 = vector.bitcast %sub3A_273 : vector<16xi32> to vector<16xf32>
      %mul3A_275 = arith.constant 5.000000e-01 : f32
      %mul3A_276 = vector.broadcast %mul3A_275 : f32 to vector<16xf32>
      %mul3A_277 = arith.mulf %mul3A_276, %max3A_266 : vector<16xf32>
      %mul3A_278 = arith.mulf %mul3A_277, %bitcast3A_274 : vector<16xf32>
      %mul3A_279 = arith.mulf %mul3A_278, %bitcast3A_274 : vector<16xf32>
      %sub3A_280 = arith.constant 1.500000e+00 : f32
      %sub3A_281 = vector.broadcast %sub3A_280 : f32 to vector<16xf32>
      %sub3A_282 = arith.subf %sub3A_281, %mul3A_279 : vector<16xf32>
      %mul3A_283 = arith.mulf %bitcast3A_274, %sub3A_282 : vector<16xf32>
      %mul3A_284 = arith.mulf %mul3A_277, %mul3A_283 : vector<16xf32>
      %mul3A_285 = arith.mulf %mul3A_284, %mul3A_283 : vector<16xf32>
      %sub3A_286 = arith.constant 1.500000e+00 : f32
      %sub3A_287 = vector.broadcast %sub3A_286 : f32 to vector<16xf32>
      %sub3A_288 = arith.subf %mul3A_285, %sub3A_287 : vector<16xf32>
      %mul3A_289 = arith.mulf %mul3A_283, %sub3A_288 : vector<16xf32>
      %mul3A_290 = arith.mulf %add3A_263, %mul3A_289 : vector<16xf32>
      %exp3A_291 = math.exp %mul3A_290 : vector<16xf32>
      %mul3A_292 = arith.mulf %gather3A_33, %mul3A_259 : vector<16xf32>
      %mul3A_293 = arith.mulf %gather3A_37, %mul3A_260 : vector<16xf32>
      %add3A_294 = arith.addf %mul3A_292, %mul3A_293 : vector<16xf32>
      %max3A_295 = arith.constant 9.99999968E-21 : f32
      %max3A_296 = vector.broadcast %max3A_295 : f32 to vector<16xf32>
      %max3A_297 = arith.maximumf %add3A_294, %max3A_296 : vector<16xf32>
      %bitcast3A_298 = vector.bitcast %max3A_297 : vector<16xf32> to vector<16xi32>
      %shift_right_logical3A_299 = arith.constant 1 : i32
      %shift_right_logical3A_300 = vector.broadcast %shift_right_logical3A_299 : i32 to vector<16xi32>
      %shift_right_logical3A_301 = arith.shrui %bitcast3A_298, %shift_right_logical3A_300 : vector<16xi32>
      %sub3A_302 = arith.constant 1597463007 : i32
      %sub3A_303 = vector.broadcast %sub3A_302 : i32 to vector<16xi32>
      %sub3A_304 = arith.subi %sub3A_303, %shift_right_logical3A_301 : vector<16xi32>
      %bitcast3A_305 = vector.bitcast %sub3A_304 : vector<16xi32> to vector<16xf32>
      %mul3A_306 = arith.constant 5.000000e-01 : f32
      %mul3A_307 = vector.broadcast %mul3A_306 : f32 to vector<16xf32>
      %mul3A_308 = arith.mulf %mul3A_307, %max3A_297 : vector<16xf32>
      %mul3A_309 = arith.mulf %mul3A_308, %bitcast3A_305 : vector<16xf32>
      %mul3A_310 = arith.mulf %mul3A_309, %bitcast3A_305 : vector<16xf32>
      %sub3A_311 = arith.constant 1.500000e+00 : f32
      %sub3A_312 = vector.broadcast %sub3A_311 : f32 to vector<16xf32>
      %sub3A_313 = arith.subf %sub3A_312, %mul3A_310 : vector<16xf32>
      %mul3A_314 = arith.mulf %bitcast3A_305, %sub3A_313 : vector<16xf32>
      %mul3A_315 = arith.mulf %mul3A_308, %mul3A_314 : vector<16xf32>
      %mul3A_316 = arith.mulf %mul3A_315, %mul3A_314 : vector<16xf32>
      %sub3A_317 = arith.constant 1.500000e+00 : f32
      %sub3A_318 = vector.broadcast %sub3A_317 : f32 to vector<16xf32>
      %sub3A_319 = arith.subf %mul3A_316, %sub3A_318 : vector<16xf32>
      %mul3A_320 = arith.mulf %mul3A_314, %sub3A_319 : vector<16xf32>
      %mul3A_321 = arith.mulf %add3A_294, %mul3A_320 : vector<16xf32>
      %exp3A_322 = math.exp %mul3A_321 : vector<16xf32>
      %mul3A_323 = arith.mulf %get3A_78, %exp3A_291 : vector<16xf32>
      %mul3A_324 = arith.mulf %get3A_82, %exp3A_322 : vector<16xf32>
      %add3A_325 = arith.addf %mul3A_323, %mul3A_324 : vector<16xf32>
      %add3A_326 = arith.addf %add3A_256, %add3A_325 : vector<16xf32>
      %sub3A_327 = arith.subf %add3A_101, %add3A_167 : vector<16xf32>
      %sub3A_328 = arith.subf %add3A_104, %add3A_170 : vector<16xf32>
      %mul3A_329 = arith.mulf %sub3A_327, %sub3A_327 : vector<16xf32>
      %mul3A_330 = arith.mulf %sub3A_328, %sub3A_328 : vector<16xf32>
      %mul3A_331 = arith.mulf %gather3A, %mul3A_329 : vector<16xf32>
      %mul3A_332 = arith.mulf %gather3A_29, %mul3A_330 : vector<16xf32>
      %add3A_333 = arith.addf %mul3A_331, %mul3A_332 : vector<16xf32>
      %max3A_334 = arith.constant 9.99999968E-21 : f32
      %max3A_335 = vector.broadcast %max3A_334 : f32 to vector<16xf32>
      %max3A_336 = arith.maximumf %add3A_333, %max3A_335 : vector<16xf32>
      %bitcast3A_337 = vector.bitcast %max3A_336 : vector<16xf32> to vector<16xi32>
      %shift_right_logical3A_338 = arith.constant 1 : i32
      %shift_right_logical3A_339 = vector.broadcast %shift_right_logical3A_338 : i32 to vector<16xi32>
      %shift_right_logical3A_340 = arith.shrui %bitcast3A_337, %shift_right_logical3A_339 : vector<16xi32>
      %sub3A_341 = arith.constant 1597463007 : i32
      %sub3A_342 = vector.broadcast %sub3A_341 : i32 to vector<16xi32>
      %sub3A_343 = arith.subi %sub3A_342, %shift_right_logical3A_340 : vector<16xi32>
      %bitcast3A_344 = vector.bitcast %sub3A_343 : vector<16xi32> to vector<16xf32>
      %mul3A_345 = arith.constant 5.000000e-01 : f32
      %mul3A_346 = vector.broadcast %mul3A_345 : f32 to vector<16xf32>
      %mul3A_347 = arith.mulf %mul3A_346, %max3A_336 : vector<16xf32>
      %mul3A_348 = arith.mulf %mul3A_347, %bitcast3A_344 : vector<16xf32>
      %mul3A_349 = arith.mulf %mul3A_348, %bitcast3A_344 : vector<16xf32>
      %sub3A_350 = arith.constant 1.500000e+00 : f32
      %sub3A_351 = vector.broadcast %sub3A_350 : f32 to vector<16xf32>
      %sub3A_352 = arith.subf %sub3A_351, %mul3A_349 : vector<16xf32>
      %mul3A_353 = arith.mulf %bitcast3A_344, %sub3A_352 : vector<16xf32>
      %mul3A_354 = arith.mulf %mul3A_347, %mul3A_353 : vector<16xf32>
      %mul3A_355 = arith.mulf %mul3A_354, %mul3A_353 : vector<16xf32>
      %sub3A_356 = arith.constant 1.500000e+00 : f32
      %sub3A_357 = vector.broadcast %sub3A_356 : f32 to vector<16xf32>
      %sub3A_358 = arith.subf %mul3A_355, %sub3A_357 : vector<16xf32>
      %mul3A_359 = arith.mulf %mul3A_353, %sub3A_358 : vector<16xf32>
      %mul3A_360 = arith.mulf %add3A_333, %mul3A_359 : vector<16xf32>
      %exp3A_361 = math.exp %mul3A_360 : vector<16xf32>
      %mul3A_362 = arith.mulf %gather3A_33, %mul3A_329 : vector<16xf32>
      %mul3A_363 = arith.mulf %gather3A_37, %mul3A_330 : vector<16xf32>
      %add3A_364 = arith.addf %mul3A_362, %mul3A_363 : vector<16xf32>
      %max3A_365 = arith.constant 9.99999968E-21 : f32
      %max3A_366 = vector.broadcast %max3A_365 : f32 to vector<16xf32>
      %max3A_367 = arith.maximumf %add3A_364, %max3A_366 : vector<16xf32>
      %bitcast3A_368 = vector.bitcast %max3A_367 : vector<16xf32> to vector<16xi32>
      %shift_right_logical3A_369 = arith.constant 1 : i32
      %shift_right_logical3A_370 = vector.broadcast %shift_right_logical3A_369 : i32 to vector<16xi32>
      %shift_right_logical3A_371 = arith.shrui %bitcast3A_368, %shift_right_logical3A_370 : vector<16xi32>
      %sub3A_372 = arith.constant 1597463007 : i32
      %sub3A_373 = vector.broadcast %sub3A_372 : i32 to vector<16xi32>
      %sub3A_374 = arith.subi %sub3A_373, %shift_right_logical3A_371 : vector<16xi32>
      %bitcast3A_375 = vector.bitcast %sub3A_374 : vector<16xi32> to vector<16xf32>
      %mul3A_376 = arith.constant 5.000000e-01 : f32
      %mul3A_377 = vector.broadcast %mul3A_376 : f32 to vector<16xf32>
      %mul3A_378 = arith.mulf %mul3A_377, %max3A_367 : vector<16xf32>
      %mul3A_379 = arith.mulf %mul3A_378, %bitcast3A_375 : vector<16xf32>
      %mul3A_380 = arith.mulf %mul3A_379, %bitcast3A_375 : vector<16xf32>
      %sub3A_381 = arith.constant 1.500000e+00 : f32
      %sub3A_382 = vector.broadcast %sub3A_381 : f32 to vector<16xf32>
      %sub3A_383 = arith.subf %sub3A_382, %mul3A_380 : vector<16xf32>
      %mul3A_384 = arith.mulf %bitcast3A_375, %sub3A_383 : vector<16xf32>
      %mul3A_385 = arith.mulf %mul3A_378, %mul3A_384 : vector<16xf32>
      %mul3A_386 = arith.mulf %mul3A_385, %mul3A_384 : vector<16xf32>
      %sub3A_387 = arith.constant 1.500000e+00 : f32
      %sub3A_388 = vector.broadcast %sub3A_387 : f32 to vector<16xf32>
      %sub3A_389 = arith.subf %mul3A_386, %sub3A_388 : vector<16xf32>
      %mul3A_390 = arith.mulf %mul3A_384, %sub3A_389 : vector<16xf32>
      %mul3A_391 = arith.mulf %add3A_364, %mul3A_390 : vector<16xf32>
      %exp3A_392 = math.exp %mul3A_391 : vector<16xf32>
      %mul3A_393 = arith.mulf %get3A_78, %exp3A_361 : vector<16xf32>
      %mul3A_394 = arith.mulf %get3A_82, %exp3A_392 : vector<16xf32>
      %add3A_395 = arith.addf %mul3A_393, %mul3A_394 : vector<16xf32>
      %add3A_396 = arith.addf %add3A_326, %add3A_395 : vector<16xf32>
      %sub3A_397 = arith.subf %add3A_101, %add3A_189 : vector<16xf32>
      %sub3A_398 = arith.subf %add3A_104, %add3A_192 : vector<16xf32>
      %mul3A_399 = arith.mulf %sub3A_397, %sub3A_397 : vector<16xf32>
      %mul3A_400 = arith.mulf %sub3A_398, %sub3A_398 : vector<16xf32>
      %mul3A_401 = arith.mulf %gather3A, %mul3A_399 : vector<16xf32>
      %mul3A_402 = arith.mulf %gather3A_29, %mul3A_400 : vector<16xf32>
      %add3A_403 = arith.addf %mul3A_401, %mul3A_402 : vector<16xf32>
      %max3A_404 = arith.constant 9.99999968E-21 : f32
      %max3A_405 = vector.broadcast %max3A_404 : f32 to vector<16xf32>
      %max3A_406 = arith.maximumf %add3A_403, %max3A_405 : vector<16xf32>
      %bitcast3A_407 = vector.bitcast %max3A_406 : vector<16xf32> to vector<16xi32>
      %shift_right_logical3A_408 = arith.constant 1 : i32
      %shift_right_logical3A_409 = vector.broadcast %shift_right_logical3A_408 : i32 to vector<16xi32>
      %shift_right_logical3A_410 = arith.shrui %bitcast3A_407, %shift_right_logical3A_409 : vector<16xi32>
      %sub3A_411 = arith.constant 1597463007 : i32
      %sub3A_412 = vector.broadcast %sub3A_411 : i32 to vector<16xi32>
      %sub3A_413 = arith.subi %sub3A_412, %shift_right_logical3A_410 : vector<16xi32>
      %bitcast3A_414 = vector.bitcast %sub3A_413 : vector<16xi32> to vector<16xf32>
      %mul3A_415 = arith.constant 5.000000e-01 : f32
      %mul3A_416 = vector.broadcast %mul3A_415 : f32 to vector<16xf32>
      %mul3A_417 = arith.mulf %mul3A_416, %max3A_406 : vector<16xf32>
      %mul3A_418 = arith.mulf %mul3A_417, %bitcast3A_414 : vector<16xf32>
      %mul3A_419 = arith.mulf %mul3A_418, %bitcast3A_414 : vector<16xf32>
      %sub3A_420 = arith.constant 1.500000e+00 : f32
      %sub3A_421 = vector.broadcast %sub3A_420 : f32 to vector<16xf32>
      %sub3A_422 = arith.subf %sub3A_421, %mul3A_419 : vector<16xf32>
      %mul3A_423 = arith.mulf %bitcast3A_414, %sub3A_422 : vector<16xf32>
      %mul3A_424 = arith.mulf %mul3A_417, %mul3A_423 : vector<16xf32>
      %mul3A_425 = arith.mulf %mul3A_424, %mul3A_423 : vector<16xf32>
      %sub3A_426 = arith.constant 1.500000e+00 : f32
      %sub3A_427 = vector.broadcast %sub3A_426 : f32 to vector<16xf32>
      %sub3A_428 = arith.subf %mul3A_425, %sub3A_427 : vector<16xf32>
      %mul3A_429 = arith.mulf %mul3A_423, %sub3A_428 : vector<16xf32>
      %mul3A_430 = arith.mulf %add3A_403, %mul3A_429 : vector<16xf32>
      %exp3A_431 = math.exp %mul3A_430 : vector<16xf32>
      %mul3A_432 = arith.mulf %gather3A_33, %mul3A_399 : vector<16xf32>
      %mul3A_433 = arith.mulf %gather3A_37, %mul3A_400 : vector<16xf32>
      %add3A_434 = arith.addf %mul3A_432, %mul3A_433 : vector<16xf32>
      %max3A_435 = arith.constant 9.99999968E-21 : f32
      %max3A_436 = vector.broadcast %max3A_435 : f32 to vector<16xf32>
      %max3A_437 = arith.maximumf %add3A_434, %max3A_436 : vector<16xf32>
      %bitcast3A_438 = vector.bitcast %max3A_437 : vector<16xf32> to vector<16xi32>
      %shift_right_logical3A_439 = arith.constant 1 : i32
      %shift_right_logical3A_440 = vector.broadcast %shift_right_logical3A_439 : i32 to vector<16xi32>
      %shift_right_logical3A_441 = arith.shrui %bitcast3A_438, %shift_right_logical3A_440 : vector<16xi32>
      %sub3A_442 = arith.constant 1597463007 : i32
      %sub3A_443 = vector.broadcast %sub3A_442 : i32 to vector<16xi32>
      %sub3A_444 = arith.subi %sub3A_443, %shift_right_logical3A_441 : vector<16xi32>
      %bitcast3A_445 = vector.bitcast %sub3A_444 : vector<16xi32> to vector<16xf32>
      %mul3A_446 = arith.constant 5.000000e-01 : f32
      %mul3A_447 = vector.broadcast %mul3A_446 : f32 to vector<16xf32>
      %mul3A_448 = arith.mulf %mul3A_447, %max3A_437 : vector<16xf32>
      %mul3A_449 = arith.mulf %mul3A_448, %bitcast3A_445 : vector<16xf32>
      %mul3A_450 = arith.mulf %mul3A_449, %bitcast3A_445 : vector<16xf32>
      %sub3A_451 = arith.constant 1.500000e+00 : f32
      %sub3A_452 = vector.broadcast %sub3A_451 : f32 to vector<16xf32>
      %sub3A_453 = arith.subf %sub3A_452, %mul3A_450 : vector<16xf32>
      %mul3A_454 = arith.mulf %bitcast3A_445, %sub3A_453 : vector<16xf32>
      %mul3A_455 = arith.mulf %mul3A_448, %mul3A_454 : vector<16xf32>
      %mul3A_456 = arith.mulf %mul3A_455, %mul3A_454 : vector<16xf32>
      %sub3A_457 = arith.constant 1.500000e+00 : f32
      %sub3A_458 = vector.broadcast %sub3A_457 : f32 to vector<16xf32>
      %sub3A_459 = arith.subf %mul3A_456, %sub3A_458 : vector<16xf32>
      %mul3A_460 = arith.mulf %mul3A_454, %sub3A_459 : vector<16xf32>
      %mul3A_461 = arith.mulf %add3A_434, %mul3A_460 : vector<16xf32>
      %exp3A_462 = math.exp %mul3A_461 : vector<16xf32>
      %mul3A_463 = arith.mulf %get3A_78, %exp3A_431 : vector<16xf32>
      %mul3A_464 = arith.mulf %get3A_82, %exp3A_462 : vector<16xf32>
      %add3A_465 = arith.addf %mul3A_463, %mul3A_464 : vector<16xf32>
      %add3A_466 = arith.addf %add3A_396, %add3A_465 : vector<16xf32>
      %max3A_467 = arith.constant 9.99999996E-13 : f32
      %max3A_468 = vector.broadcast %max3A_467 : f32 to vector<16xf32>
      %max3A_469 = arith.maximumf %add3A_466, %max3A_468 : vector<16xf32>
      %div3A = arith.constant 1.000000e+00 : f32
      %div3A_470 = vector.broadcast %div3A : f32 to vector<16xf32>
      %div3A_471 = arith.divf %div3A_470, %max3A_469 : vector<16xf32>
      %jit3A = arith.constant 8 : i32
      %div3A_472 = arith.divsi %scan3A_45, %jit3A : i32
      %sign3A = arith.constant 0 : i32
      %sign3A_473 = arith.cmpi sgt, %scan3A_45, %sign3A : i32
      %sign3A_474 = arith.extui %sign3A_473 : i1 to i32
      %sign3A_475 = arith.constant 0 : i32
      %sign3A_476 = arith.cmpi slt, %scan3A_45, %sign3A_475 : i32
      %sign3A_477 = arith.extui %sign3A_476 : i1 to i32
      %sign3A_478 = arith.subi %sign3A_474, %sign3A_477 : i32
      %sign3A_479 = arith.constant 0 : i32
      %sign3A_480 = arith.cmpi sgt, %jit3A, %sign3A_479 : i32
      %sign3A_481 = arith.extui %sign3A_480 : i1 to i32
      %sign3A_482 = arith.constant 0 : i32
      %sign3A_483 = arith.cmpi slt, %jit3A, %sign3A_482 : i32
      %sign3A_484 = arith.extui %sign3A_483 : i1 to i32
      %sign3A_485 = arith.subi %sign3A_481, %sign3A_484 : i32
      %ne3A = arith.cmpi ne, %sign3A_478, %sign3A_485 : i32
      %rem3A = arith.remsi %scan3A_45, %jit3A : i32
      %ne3A_486 = arith.constant 0 : i32
      %ne3A_487 = arith.cmpi ne, %rem3A, %ne3A_486 : i32
      %and3A = arith.andi %ne3A, %ne3A_487 : i1
      %sub3A_488 = arith.constant 1 : i32
      %sub3A_489 = arith.subi %div3A_472, %sub3A_488 : i32
      %select_n3A = arith.select %and3A, %sub3A_489, %div3A_472 : i32
      %mul3A_490 = arith.constant 512 : i32
      %mul3A_491 = arith.muli %select_n3A, %mul3A_490 : i32
      %jit3A_492 = arith.constant 8 : i32
      %eq3A = arith.constant 0 : i32
      %eq3A_493 = arith.cmpi eq, %jit3A_492, %eq3A : i32
      %jit3A_494 = arith.constant 1 : i32
      %select_n3A_495 = arith.select %eq3A_493, %jit3A_494, %jit3A_492 : i32
      %rem3A_496 = arith.remsi %scan3A_45, %select_n3A_495 : i32
      %ne3A_497 = arith.constant 0 : i32
      %ne3A_498 = arith.cmpi ne, %rem3A_496, %ne3A_497 : i32
      %lt3A = arith.constant 0 : i32
      %lt3A_499 = arith.cmpi slt, %rem3A_496, %lt3A : i32
      %lt3A_500 = arith.constant 0 : i32
      %lt3A_501 = arith.cmpi slt, %select_n3A_495, %lt3A_500 : i32
      %ne3A_502 = arith.xori %lt3A_499, %lt3A_501 : i1
      %and3A_503 = arith.andi %ne3A_502, %ne3A_498 : i1
      %add3A_504 = arith.addi %rem3A_496, %select_n3A_495 : i32
      %select_n3A_505 = arith.select %and3A_503, %add3A_504, %rem3A_496 : i32
      %mul3A_506 = arith.constant 16 : i32
      %mul3A_507 = arith.muli %select_n3A_505, %mul3A_506 : i32
      %add3A_508 = arith.addi %mul3A_491, %mul3A_507 : i32
      %mul3A_509 = arith.mulf %add3A_256, %div3A_471 : vector<16xf32>
      %add3A_510 = arith.constant 0 : i32
      %add3A_511 = arith.addi %add3A_508, %add3A_510 : i32
      %swap3A = arith.index_cast %add3A_511 : i32 to index
      %swap3A_512 = tpu.vector_load %arg11[%swap3A] {strides = array<i32>} : memref<2048xf32, #tpu.memory_space<vmem>>, vector<16xf32>,
      tpu.vector_store %arg11[%swap3A], %mul3A_509 {strides = array<i32>} : memref<2048xf32, #tpu.memory_space<vmem>>, vector<16xf32>,
      %mul3A_513 = arith.mulf %add3A_325, %div3A_471 : vector<16xf32>
      %add3A_514 = arith.constant 128 : i32
      %add3A_515 = arith.addi %add3A_508, %add3A_514 : i32
      %swap3A_516 = arith.index_cast %add3A_515 : i32 to index
      %swap3A_517 = tpu.vector_load %arg11[%swap3A_516] {strides = array<i32>} : memref<2048xf32, #tpu.memory_space<vmem>>, vector<16xf32>,
      tpu.vector_store %arg11[%swap3A_516], %mul3A_513 {strides = array<i32>} : memref<2048xf32, #tpu.memory_space<vmem>>, vector<16xf32>,
      %mul3A_518 = arith.mulf %add3A_395, %div3A_471 : vector<16xf32>
      %add3A_519 = arith.constant 256 : i32
      %add3A_520 = arith.addi %add3A_508, %add3A_519 : i32
      %swap3A_521 = arith.index_cast %add3A_520 : i32 to index
      %swap3A_522 = tpu.vector_load %arg11[%swap3A_521] {strides = array<i32>} : memref<2048xf32, #tpu.memory_space<vmem>>, vector<16xf32>,
      tpu.vector_store %arg11[%swap3A_521], %mul3A_518 {strides = array<i32>} : memref<2048xf32, #tpu.memory_space<vmem>>, vector<16xf32>,
      %mul3A_523 = arith.mulf %add3A_465, %div3A_471 : vector<16xf32>
      %add3A_524 = arith.constant 384 : i32
      %add3A_525 = arith.addi %add3A_508, %add3A_524 : i32
      %swap3A_526 = arith.index_cast %add3A_525 : i32 to index
      %swap3A_527 = tpu.vector_load %arg11[%swap3A_526] {strides = array<i32>} : memref<2048xf32, #tpu.memory_space<vmem>>, vector<16xf32>,
      tpu.vector_store %arg11[%swap3A_526], %mul3A_523 {strides = array<i32>} : memref<2048xf32, #tpu.memory_space<vmem>>, vector<16xf32>,
      %scan3A_528 = arith.constant 1 : i32
      %scan3A_529 = arith.addi %scan3A_45, %scan3A_528 : i32
      %mul3A_530 = arith.constant 16 : i32
      %mul3A_531 = arith.muli %scan3A_529, %mul3A_530 : i32
      %get3A_532 = arith.constant 0 : i32
      %get3A_533 = arith.index_cast %get3A_532 : i32 to index
      %get3A_534 = arith.index_cast %mul3A_531 : i32 to index
      %get3A_535 = tpu.vector_load %arg7[%get3A_533, %get3A_534] {strides = array<i32>} : memref<5x512xi32, #tpu.memory_space<vmem>>, vector<16xi32>,
      %get3A_536 = arith.constant 1 : i32
      %get3A_537 = arith.index_cast %get3A_536 : i32 to index
      %get3A_538 = arith.index_cast %mul3A_531 : i32 to index
      %get3A_539 = tpu.vector_load %arg7[%get3A_537, %get3A_538] {strides = array<i32>} : memref<5x512xi32, #tpu.memory_space<vmem>>, vector<16xi32>,
      %get3A_540 = arith.constant 2 : i32
      %get3A_541 = arith.index_cast %get3A_540 : i32 to index
      %get3A_542 = arith.index_cast %mul3A_531 : i32 to index
      %get3A_543 = tpu.vector_load %arg7[%get3A_541, %get3A_542] {strides = array<i32>} : memref<5x512xi32, #tpu.memory_space<vmem>>, vector<16xi32>,
      %get3A_544 = arith.constant 3 : i32
      %get3A_545 = arith.index_cast %get3A_544 : i32 to index
      %get3A_546 = arith.index_cast %mul3A_531 : i32 to index
      %get3A_547 = tpu.vector_load %arg7[%get3A_545, %get3A_546] {strides = array<i32>} : memref<5x512xi32, #tpu.memory_space<vmem>>, vector<16xi32>,
      %get3A_548 = arith.constant 4 : i32
      %get3A_549 = arith.index_cast %get3A_548 : i32 to index
      %get3A_550 = arith.index_cast %mul3A_531 : i32 to index
      %get3A_551 = tpu.vector_load %arg7[%get3A_549, %get3A_550] {strides = array<i32>} : memref<5x512xi32, #tpu.memory_space<vmem>>, vector<16xi32>,
      %get3A_552 = arith.constant 0 : i32
      %get3A_553 = arith.index_cast %get3A_552 : i32 to index
      %get3A_554 = arith.index_cast %mul3A_531 : i32 to index
      %get3A_555 = tpu.vector_load %arg8[%get3A_553, %get3A_554] {strides = array<i32>} : memref<2x512xf32, #tpu.memory_space<vmem>>, vector<16xf32>,
      %get3A_556 = arith.constant 1 : i32
      %get3A_557 = arith.index_cast %get3A_556 : i32 to index
      %get3A_558 = arith.index_cast %mul3A_531 : i32 to index
      %get3A_559 = tpu.vector_load %arg8[%get3A_557, %get3A_558] {strides = array<i32>} : memref<2x512xf32, #tpu.memory_space<vmem>>, vector<16xf32>,
      %get3A_560 = arith.constant 0 : i32
      %get3A_561 = arith.index_cast %get3A_560 : i32 to index
      %get3A_562 = arith.index_cast %mul3A_531 : i32 to index
      %get3A_563 = tpu.vector_load %arg9[%get3A_561, %get3A_562] {strides = array<i32>} : memref<2x512xf32, #tpu.memory_space<vmem>>, vector<16xf32>,
      %get3A_564 = arith.constant 1 : i32
      %get3A_565 = arith.index_cast %get3A_564 : i32 to index
      %get3A_566 = arith.index_cast %mul3A_531 : i32 to index
      %get3A_567 = tpu.vector_load %arg9[%get3A_565, %get3A_566] {strides = array<i32>} : memref<2x512xf32, #tpu.memory_space<vmem>>, vector<16xf32>,
      %mul3A_568 = arith.constant 2 : i32
      %mul3A_569 = vector.broadcast %mul3A_568 : i32 to vector<16xi32>
      %mul3A_570 = arith.muli %get3A_535, %mul3A_569 : vector<16xi32>
      %gather3A_571 = tpu.vector_load_idx %arg10[%mul3A_570] : memref<128xf32, #tpu.memory_space<vmem>>[vector<16xi32>], vector<16xf32>,
      %add3A_572 = arith.constant 1 : i32
      %add3A_573 = vector.broadcast %add3A_572 : i32 to vector<16xi32>
      %add3A_574 = arith.addi %mul3A_570, %add3A_573 : vector<16xi32>
      %gather3A_575 = tpu.vector_load_idx %arg10[%add3A_574] : memref<128xf32, #tpu.memory_space<vmem>>[vector<16xi32>], vector<16xf32>,
      %add3A_576 = arith.constant 62 : i32
      %add3A_577 = vector.broadcast %add3A_576 : i32 to vector<16xi32>
      %add3A_578 = arith.addi %mul3A_570, %add3A_577 : vector<16xi32>
      %gather3A_579 = tpu.vector_load_idx %arg10[%add3A_578] : memref<128xf32, #tpu.memory_space<vmem>>[vector<16xi32>], vector<16xf32>,
      %add3A_580 = arith.constant 63 : i32
      %add3A_581 = vector.broadcast %add3A_580 : i32 to vector<16xi32>
      %add3A_582 = arith.addi %mul3A_570, %add3A_581 : vector<16xi32>
      %gather3A_583 = tpu.vector_load_idx %arg10[%add3A_582] : memref<128xf32, #tpu.memory_space<vmem>>[vector<16xi32>], vector<16xf32>,
      %mul3A_584 = arith.mulf %get3A_555, %gather3A_571 : vector<16xf32>
      %mul3A_585 = arith.mulf %get3A_559, %gather3A_579 : vector<16xf32>
      %add3A_586 = arith.addf %mul3A_584, %mul3A_585 : vector<16xf32>
      %mul3A_587 = arith.mulf %get3A_555, %gather3A_575 : vector<16xf32>
      %mul3A_588 = arith.mulf %get3A_559, %gather3A_583 : vector<16xf32>
      %add3A_589 = arith.addf %mul3A_587, %mul3A_588 : vector<16xf32>
      %mul3A_590 = arith.constant 2 : i32
      %mul3A_591 = vector.broadcast %mul3A_590 : i32 to vector<16xi32>
      %mul3A_592 = arith.muli %get3A_539, %mul3A_591 : vector<16xi32>
      %gather3A_593 = tpu.vector_load_idx %arg10[%mul3A_592] : memref<128xf32, #tpu.memory_space<vmem>>[vector<16xi32>], vector<16xf32>,
      %add3A_594 = arith.constant 1 : i32
      %add3A_595 = vector.broadcast %add3A_594 : i32 to vector<16xi32>
      %add3A_596 = arith.addi %mul3A_592, %add3A_595 : vector<16xi32>
      %gather3A_597 = tpu.vector_load_idx %arg10[%add3A_596] : memref<128xf32, #tpu.memory_space<vmem>>[vector<16xi32>], vector<16xf32>,
      %add3A_598 = arith.constant 62 : i32
      %add3A_599 = vector.broadcast %add3A_598 : i32 to vector<16xi32>
      %add3A_600 = arith.addi %mul3A_592, %add3A_599 : vector<16xi32>
      %gather3A_601 = tpu.vector_load_idx %arg10[%add3A_600] : memref<128xf32, #tpu.memory_space<vmem>>[vector<16xi32>], vector<16xf32>,
      %add3A_602 = arith.constant 63 : i32
      %add3A_603 = vector.broadcast %add3A_602 : i32 to vector<16xi32>
      %add3A_604 = arith.addi %mul3A_592, %add3A_603 : vector<16xi32>
      %gather3A_605 = tpu.vector_load_idx %arg10[%add3A_604] : memref<128xf32, #tpu.memory_space<vmem>>[vector<16xi32>], vector<16xf32>,
      %mul3A_606 = arith.mulf %get3A_555, %gather3A_593 : vector<16xf32>
      %mul3A_607 = arith.mulf %get3A_559, %gather3A_601 : vector<16xf32>
      %add3A_608 = arith.addf %mul3A_606, %mul3A_607 : vector<16xf32>
      %mul3A_609 = arith.mulf %get3A_555, %gather3A_597 : vector<16xf32>
      %mul3A_610 = arith.mulf %get3A_559, %gather3A_605 : vector<16xf32>
      %add3A_611 = arith.addf %mul3A_609, %mul3A_610 : vector<16xf32>
      %mul3A_612 = arith.constant 2 : i32
      %mul3A_613 = vector.broadcast %mul3A_612 : i32 to vector<16xi32>
      %mul3A_614 = arith.muli %get3A_543, %mul3A_613 : vector<16xi32>
      %gather3A_615 = tpu.vector_load_idx %arg10[%mul3A_614] : memref<128xf32, #tpu.memory_space<vmem>>[vector<16xi32>], vector<16xf32>,
      %add3A_616 = arith.constant 1 : i32
      %add3A_617 = vector.broadcast %add3A_616 : i32 to vector<16xi32>
      %add3A_618 = arith.addi %mul3A_614, %add3A_617 : vector<16xi32>
      %gather3A_619 = tpu.vector_load_idx %arg10[%add3A_618] : memref<128xf32, #tpu.memory_space<vmem>>[vector<16xi32>], vector<16xf32>,
      %add3A_620 = arith.constant 62 : i32
      %add3A_621 = vector.broadcast %add3A_620 : i32 to vector<16xi32>
      %add3A_622 = arith.addi %mul3A_614, %add3A_621 : vector<16xi32>
      %gather3A_623 = tpu.vector_load_idx %arg10[%add3A_622] : memref<128xf32, #tpu.memory_space<vmem>>[vector<16xi32>], vector<16xf32>,
      %add3A_624 = arith.constant 63 : i32
      %add3A_625 = vector.broadcast %add3A_624 : i32 to vector<16xi32>
      %add3A_626 = arith.addi %mul3A_614, %add3A_625 : vector<16xi32>
      %gather3A_627 = tpu.vector_load_idx %arg10[%add3A_626] : memref<128xf32, #tpu.memory_space<vmem>>[vector<16xi32>], vector<16xf32>,
      %mul3A_628 = arith.mulf %get3A_555, %gather3A_615 : vector<16xf32>
      %mul3A_629 = arith.mulf %get3A_559, %gather3A_623 : vector<16xf32>
      %add3A_630 = arith.addf %mul3A_628, %mul3A_629 : vector<16xf32>
      %mul3A_631 = arith.mulf %get3A_555, %gather3A_619 : vector<16xf32>
      %mul3A_632 = arith.mulf %get3A_559, %gather3A_627 : vector<16xf32>
      %add3A_633 = arith.addf %mul3A_631, %mul3A_632 : vector<16xf32>
      %mul3A_634 = arith.constant 2 : i32
      %mul3A_635 = vector.broadcast %mul3A_634 : i32 to vector<16xi32>
      %mul3A_636 = arith.muli %get3A_547, %mul3A_635 : vector<16xi32>
      %gather3A_637 = tpu.vector_load_idx %arg10[%mul3A_636] : memref<128xf32, #tpu.memory_space<vmem>>[vector<16xi32>], vector<16xf32>,
      %add3A_638 = arith.constant 1 : i32
      %add3A_639 = vector.broadcast %add3A_638 : i32 to vector<16xi32>
      %add3A_640 = arith.addi %mul3A_636, %add3A_639 : vector<16xi32>
      %gather3A_641 = tpu.vector_load_idx %arg10[%add3A_640] : memref<128xf32, #tpu.memory_space<vmem>>[vector<16xi32>], vector<16xf32>,
      %add3A_642 = arith.constant 62 : i32
      %add3A_643 = vector.broadcast %add3A_642 : i32 to vector<16xi32>
      %add3A_644 = arith.addi %mul3A_636, %add3A_643 : vector<16xi32>
      %gather3A_645 = tpu.vector_load_idx %arg10[%add3A_644] : memref<128xf32, #tpu.memory_space<vmem>>[vector<16xi32>], vector<16xf32>,
      %add3A_646 = arith.constant 63 : i32
      %add3A_647 = vector.broadcast %add3A_646 : i32 to vector<16xi32>
      %add3A_648 = arith.addi %mul3A_636, %add3A_647 : vector<16xi32>
      %gather3A_649 = tpu.vector_load_idx %arg10[%add3A_648] : memref<128xf32, #tpu.memory_space<vmem>>[vector<16xi32>], vector<16xf32>,
      %mul3A_650 = arith.mulf %get3A_555, %gather3A_637 : vector<16xf32>
      %mul3A_651 = arith.mulf %get3A_559, %gather3A_645 : vector<16xf32>
      %add3A_652 = arith.addf %mul3A_650, %mul3A_651 : vector<16xf32>
      %mul3A_653 = arith.mulf %get3A_555, %gather3A_641 : vector<16xf32>
      %mul3A_654 = arith.mulf %get3A_559, %gather3A_649 : vector<16xf32>
      %add3A_655 = arith.addf %mul3A_653, %mul3A_654 : vector<16xf32>
      %mul3A_656 = arith.constant 2 : i32
      %mul3A_657 = vector.broadcast %mul3A_656 : i32 to vector<16xi32>
      %mul3A_658 = arith.muli %get3A_551, %mul3A_657 : vector<16xi32>
      %gather3A_659 = tpu.vector_load_idx %arg10[%mul3A_658] : memref<128xf32, #tpu.memory_space<vmem>>[vector<16xi32>], vector<16xf32>,
      %add3A_660 = arith.constant 1 : i32
      %add3A_661 = vector.broadcast %add3A_660 : i32 to vector<16xi32>
      %add3A_662 = arith.addi %mul3A_658, %add3A_661 : vector<16xi32>
      %gather3A_663 = tpu.vector_load_idx %arg10[%add3A_662] : memref<128xf32, #tpu.memory_space<vmem>>[vector<16xi32>], vector<16xf32>,
      %add3A_664 = arith.constant 62 : i32
      %add3A_665 = vector.broadcast %add3A_664 : i32 to vector<16xi32>
      %add3A_666 = arith.addi %mul3A_658, %add3A_665 : vector<16xi32>
      %gather3A_667 = tpu.vector_load_idx %arg10[%add3A_666] : memref<128xf32, #tpu.memory_space<vmem>>[vector<16xi32>], vector<16xf32>,
      %add3A_668 = arith.constant 63 : i32
      %add3A_669 = vector.broadcast %add3A_668 : i32 to vector<16xi32>
      %add3A_670 = arith.addi %mul3A_658, %add3A_669 : vector<16xi32>
      %gather3A_671 = tpu.vector_load_idx %arg10[%add3A_670] : memref<128xf32, #tpu.memory_space<vmem>>[vector<16xi32>], vector<16xf32>,
      %mul3A_672 = arith.mulf %get3A_555, %gather3A_659 : vector<16xf32>
      %mul3A_673 = arith.mulf %get3A_559, %gather3A_667 : vector<16xf32>
      %add3A_674 = arith.addf %mul3A_672, %mul3A_673 : vector<16xf32>
      %mul3A_675 = arith.mulf %get3A_555, %gather3A_663 : vector<16xf32>
      %mul3A_676 = arith.mulf %get3A_559, %gather3A_671 : vector<16xf32>
      %add3A_677 = arith.addf %mul3A_675, %mul3A_676 : vector<16xf32>
      %sub3A_678 = arith.subf %add3A_586, %add3A_608 : vector<16xf32>
      %sub3A_679 = arith.subf %add3A_589, %add3A_611 : vector<16xf32>
      %mul3A_680 = arith.mulf %sub3A_678, %sub3A_678 : vector<16xf32>
      %mul3A_681 = arith.mulf %sub3A_679, %sub3A_679 : vector<16xf32>
      %mul3A_682 = arith.mulf %gather3A, %mul3A_680 : vector<16xf32>
      %mul3A_683 = arith.mulf %gather3A_29, %mul3A_681 : vector<16xf32>
      %add3A_684 = arith.addf %mul3A_682, %mul3A_683 : vector<16xf32>
      %max3A_685 = arith.constant 9.99999968E-21 : f32
      %max3A_686 = vector.broadcast %max3A_685 : f32 to vector<16xf32>
      %max3A_687 = arith.maximumf %add3A_684, %max3A_686 : vector<16xf32>
      %bitcast3A_688 = vector.bitcast %max3A_687 : vector<16xf32> to vector<16xi32>
      %shift_right_logical3A_689 = arith.constant 1 : i32
      %shift_right_logical3A_690 = vector.broadcast %shift_right_logical3A_689 : i32 to vector<16xi32>
      %shift_right_logical3A_691 = arith.shrui %bitcast3A_688, %shift_right_logical3A_690 : vector<16xi32>
      %sub3A_692 = arith.constant 1597463007 : i32
      %sub3A_693 = vector.broadcast %sub3A_692 : i32 to vector<16xi32>
      %sub3A_694 = arith.subi %sub3A_693, %shift_right_logical3A_691 : vector<16xi32>
      %bitcast3A_695 = vector.bitcast %sub3A_694 : vector<16xi32> to vector<16xf32>
      %mul3A_696 = arith.constant 5.000000e-01 : f32
      %mul3A_697 = vector.broadcast %mul3A_696 : f32 to vector<16xf32>
      %mul3A_698 = arith.mulf %mul3A_697, %max3A_687 : vector<16xf32>
      %mul3A_699 = arith.mulf %mul3A_698, %bitcast3A_695 : vector<16xf32>
      %mul3A_700 = arith.mulf %mul3A_699, %bitcast3A_695 : vector<16xf32>
      %sub3A_701 = arith.constant 1.500000e+00 : f32
      %sub3A_702 = vector.broadcast %sub3A_701 : f32 to vector<16xf32>
      %sub3A_703 = arith.subf %sub3A_702, %mul3A_700 : vector<16xf32>
      %mul3A_704 = arith.mulf %bitcast3A_695, %sub3A_703 : vector<16xf32>
      %mul3A_705 = arith.mulf %mul3A_698, %mul3A_704 : vector<16xf32>
      %mul3A_706 = arith.mulf %mul3A_705, %mul3A_704 : vector<16xf32>
      %sub3A_707 = arith.constant 1.500000e+00 : f32
      %sub3A_708 = vector.broadcast %sub3A_707 : f32 to vector<16xf32>
      %sub3A_709 = arith.subf %mul3A_706, %sub3A_708 : vector<16xf32>
      %mul3A_710 = arith.mulf %mul3A_704, %sub3A_709 : vector<16xf32>
      %mul3A_711 = arith.mulf %add3A_684, %mul3A_710 : vector<16xf32>
      %exp3A_712 = math.exp %mul3A_711 : vector<16xf32>
      %mul3A_713 = arith.mulf %gather3A_33, %mul3A_680 : vector<16xf32>
      %mul3A_714 = arith.mulf %gather3A_37, %mul3A_681 : vector<16xf32>
      %add3A_715 = arith.addf %mul3A_713, %mul3A_714 : vector<16xf32>
      %max3A_716 = arith.constant 9.99999968E-21 : f32
      %max3A_717 = vector.broadcast %max3A_716 : f32 to vector<16xf32>
      %max3A_718 = arith.maximumf %add3A_715, %max3A_717 : vector<16xf32>
      %bitcast3A_719 = vector.bitcast %max3A_718 : vector<16xf32> to vector<16xi32>
      %shift_right_logical3A_720 = arith.constant 1 : i32
      %shift_right_logical3A_721 = vector.broadcast %shift_right_logical3A_720 : i32 to vector<16xi32>
      %shift_right_logical3A_722 = arith.shrui %bitcast3A_719, %shift_right_logical3A_721 : vector<16xi32>
      %sub3A_723 = arith.constant 1597463007 : i32
      %sub3A_724 = vector.broadcast %sub3A_723 : i32 to vector<16xi32>
      %sub3A_725 = arith.subi %sub3A_724, %shift_right_logical3A_722 : vector<16xi32>
      %bitcast3A_726 = vector.bitcast %sub3A_725 : vector<16xi32> to vector<16xf32>
      %mul3A_727 = arith.constant 5.000000e-01 : f32
      %mul3A_728 = vector.broadcast %mul3A_727 : f32 to vector<16xf32>
      %mul3A_729 = arith.mulf %mul3A_728, %max3A_718 : vector<16xf32>
      %mul3A_730 = arith.mulf %mul3A_729, %bitcast3A_726 : vector<16xf32>
      %mul3A_731 = arith.mulf %mul3A_730, %bitcast3A_726 : vector<16xf32>
      %sub3A_732 = arith.constant 1.500000e+00 : f32
      %sub3A_733 = vector.broadcast %sub3A_732 : f32 to vector<16xf32>
      %sub3A_734 = arith.subf %sub3A_733, %mul3A_731 : vector<16xf32>
      %mul3A_735 = arith.mulf %bitcast3A_726, %sub3A_734 : vector<16xf32>
      %mul3A_736 = arith.mulf %mul3A_729, %mul3A_735 : vector<16xf32>
      %mul3A_737 = arith.mulf %mul3A_736, %mul3A_735 : vector<16xf32>
      %sub3A_738 = arith.constant 1.500000e+00 : f32
      %sub3A_739 = vector.broadcast %sub3A_738 : f32 to vector<16xf32>
      %sub3A_740 = arith.subf %mul3A_737, %sub3A_739 : vector<16xf32>
      %mul3A_741 = arith.mulf %mul3A_735, %sub3A_740 : vector<16xf32>
      %mul3A_742 = arith.mulf %add3A_715, %mul3A_741 : vector<16xf32>
      %exp3A_743 = math.exp %mul3A_742 : vector<16xf32>
      %mul3A_744 = arith.mulf %get3A_563, %exp3A_712 : vector<16xf32>
      %mul3A_745 = arith.mulf %get3A_567, %exp3A_743 : vector<16xf32>
      %add3A_746 = arith.addf %mul3A_744, %mul3A_745 : vector<16xf32>
      %sub3A_747 = arith.subf %add3A_586, %add3A_630 : vector<16xf32>
      %sub3A_748 = arith.subf %add3A_589, %add3A_633 : vector<16xf32>
      %mul3A_749 = arith.mulf %sub3A_747, %sub3A_747 : vector<16xf32>
      %mul3A_750 = arith.mulf %sub3A_748, %sub3A_748 : vector<16xf32>
      %mul3A_751 = arith.mulf %gather3A, %mul3A_749 : vector<16xf32>
      %mul3A_752 = arith.mulf %gather3A_29, %mul3A_750 : vector<16xf32>
      %add3A_753 = arith.addf %mul3A_751, %mul3A_752 : vector<16xf32>
      %max3A_754 = arith.constant 9.99999968E-21 : f32
      %max3A_755 = vector.broadcast %max3A_754 : f32 to vector<16xf32>
      %max3A_756 = arith.maximumf %add3A_753, %max3A_755 : vector<16xf32>
      %bitcast3A_757 = vector.bitcast %max3A_756 : vector<16xf32> to vector<16xi32>
      %shift_right_logical3A_758 = arith.constant 1 : i32
      %shift_right_logical3A_759 = vector.broadcast %shift_right_logical3A_758 : i32 to vector<16xi32>
      %shift_right_logical3A_760 = arith.shrui %bitcast3A_757, %shift_right_logical3A_759 : vector<16xi32>
      %sub3A_761 = arith.constant 1597463007 : i32
      %sub3A_762 = vector.broadcast %sub3A_761 : i32 to vector<16xi32>
      %sub3A_763 = arith.subi %sub3A_762, %shift_right_logical3A_760 : vector<16xi32>
      %bitcast3A_764 = vector.bitcast %sub3A_763 : vector<16xi32> to vector<16xf32>
      %mul3A_765 = arith.constant 5.000000e-01 : f32
      %mul3A_766 = vector.broadcast %mul3A_765 : f32 to vector<16xf32>
      %mul3A_767 = arith.mulf %mul3A_766, %max3A_756 : vector<16xf32>
      %mul3A_768 = arith.mulf %mul3A_767, %bitcast3A_764 : vector<16xf32>
      %mul3A_769 = arith.mulf %mul3A_768, %bitcast3A_764 : vector<16xf32>
      %sub3A_770 = arith.constant 1.500000e+00 : f32
      %sub3A_771 = vector.broadcast %sub3A_770 : f32 to vector<16xf32>
      %sub3A_772 = arith.subf %sub3A_771, %mul3A_769 : vector<16xf32>
      %mul3A_773 = arith.mulf %bitcast3A_764, %sub3A_772 : vector<16xf32>
      %mul3A_774 = arith.mulf %mul3A_767, %mul3A_773 : vector<16xf32>
      %mul3A_775 = arith.mulf %mul3A_774, %mul3A_773 : vector<16xf32>
      %sub3A_776 = arith.constant 1.500000e+00 : f32
      %sub3A_777 = vector.broadcast %sub3A_776 : f32 to vector<16xf32>
      %sub3A_778 = arith.subf %mul3A_775, %sub3A_777 : vector<16xf32>
      %mul3A_779 = arith.mulf %mul3A_773, %sub3A_778 : vector<16xf32>
      %mul3A_780 = arith.mulf %add3A_753, %mul3A_779 : vector<16xf32>
      %exp3A_781 = math.exp %mul3A_780 : vector<16xf32>
      %mul3A_782 = arith.mulf %gather3A_33, %mul3A_749 : vector<16xf32>
      %mul3A_783 = arith.mulf %gather3A_37, %mul3A_750 : vector<16xf32>
      %add3A_784 = arith.addf %mul3A_782, %mul3A_783 : vector<16xf32>
      %max3A_785 = arith.constant 9.99999968E-21 : f32
      %max3A_786 = vector.broadcast %max3A_785 : f32 to vector<16xf32>
      %max3A_787 = arith.maximumf %add3A_784, %max3A_786 : vector<16xf32>
      %bitcast3A_788 = vector.bitcast %max3A_787 : vector<16xf32> to vector<16xi32>
      %shift_right_logical3A_789 = arith.constant 1 : i32
      %shift_right_logical3A_790 = vector.broadcast %shift_right_logical3A_789 : i32 to vector<16xi32>
      %shift_right_logical3A_791 = arith.shrui %bitcast3A_788, %shift_right_logical3A_790 : vector<16xi32>
      %sub3A_792 = arith.constant 1597463007 : i32
      %sub3A_793 = vector.broadcast %sub3A_792 : i32 to vector<16xi32>
      %sub3A_794 = arith.subi %sub3A_793, %shift_right_logical3A_791 : vector<16xi32>
      %bitcast3A_795 = vector.bitcast %sub3A_794 : vector<16xi32> to vector<16xf32>
      %mul3A_796 = arith.constant 5.000000e-01 : f32
      %mul3A_797 = vector.broadcast %mul3A_796 : f32 to vector<16xf32>
      %mul3A_798 = arith.mulf %mul3A_797, %max3A_787 : vector<16xf32>
      %mul3A_799 = arith.mulf %mul3A_798, %bitcast3A_795 : vector<16xf32>
      %mul3A_800 = arith.mulf %mul3A_799, %bitcast3A_795 : vector<16xf32>
      %sub3A_801 = arith.constant 1.500000e+00 : f32
      %sub3A_802 = vector.broadcast %sub3A_801 : f32 to vector<16xf32>
      %sub3A_803 = arith.subf %sub3A_802, %mul3A_800 : vector<16xf32>
      %mul3A_804 = arith.mulf %bitcast3A_795, %sub3A_803 : vector<16xf32>
      %mul3A_805 = arith.mulf %mul3A_798, %mul3A_804 : vector<16xf32>
      %mul3A_806 = arith.mulf %mul3A_805, %mul3A_804 : vector<16xf32>
      %sub3A_807 = arith.constant 1.500000e+00 : f32
      %sub3A_808 = vector.broadcast %sub3A_807 : f32 to vector<16xf32>
      %sub3A_809 = arith.subf %mul3A_806, %sub3A_808 : vector<16xf32>
      %mul3A_810 = arith.mulf %mul3A_804, %sub3A_809 : vector<16xf32>
      %mul3A_811 = arith.mulf %add3A_784, %mul3A_810 : vector<16xf32>
      %exp3A_812 = math.exp %mul3A_811 : vector<16xf32>
      %mul3A_813 = arith.mulf %get3A_563, %exp3A_781 : vector<16xf32>
      %mul3A_814 = arith.mulf %get3A_567, %exp3A_812 : vector<16xf32>
      %add3A_815 = arith.addf %mul3A_813, %mul3A_814 : vector<16xf32>
      %add3A_816 = arith.addf %add3A_746, %add3A_815 : vector<16xf32>
      %sub3A_817 = arith.subf %add3A_586, %add3A_652 : vector<16xf32>
      %sub3A_818 = arith.subf %add3A_589, %add3A_655 : vector<16xf32>
      %mul3A_819 = arith.mulf %sub3A_817, %sub3A_817 : vector<16xf32>
      %mul3A_820 = arith.mulf %sub3A_818, %sub3A_818 : vector<16xf32>
      %mul3A_821 = arith.mulf %gather3A, %mul3A_819 : vector<16xf32>
      %mul3A_822 = arith.mulf %gather3A_29, %mul3A_820 : vector<16xf32>
      %add3A_823 = arith.addf %mul3A_821, %mul3A_822 : vector<16xf32>
      %max3A_824 = arith.constant 9.99999968E-21 : f32
      %max3A_825 = vector.broadcast %max3A_824 : f32 to vector<16xf32>
      %max3A_826 = arith.maximumf %add3A_823, %max3A_825 : vector<16xf32>
      %bitcast3A_827 = vector.bitcast %max3A_826 : vector<16xf32> to vector<16xi32>
      %shift_right_logical3A_828 = arith.constant 1 : i32
      %shift_right_logical3A_829 = vector.broadcast %shift_right_logical3A_828 : i32 to vector<16xi32>
      %shift_right_logical3A_830 = arith.shrui %bitcast3A_827, %shift_right_logical3A_829 : vector<16xi32>
      %sub3A_831 = arith.constant 1597463007 : i32
      %sub3A_832 = vector.broadcast %sub3A_831 : i32 to vector<16xi32>
      %sub3A_833 = arith.subi %sub3A_832, %shift_right_logical3A_830 : vector<16xi32>
      %bitcast3A_834 = vector.bitcast %sub3A_833 : vector<16xi32> to vector<16xf32>
      %mul3A_835 = arith.constant 5.000000e-01 : f32
      %mul3A_836 = vector.broadcast %mul3A_835 : f32 to vector<16xf32>
      %mul3A_837 = arith.mulf %mul3A_836, %max3A_826 : vector<16xf32>
      %mul3A_838 = arith.mulf %mul3A_837, %bitcast3A_834 : vector<16xf32>
      %mul3A_839 = arith.mulf %mul3A_838, %bitcast3A_834 : vector<16xf32>
      %sub3A_840 = arith.constant 1.500000e+00 : f32
      %sub3A_841 = vector.broadcast %sub3A_840 : f32 to vector<16xf32>
      %sub3A_842 = arith.subf %sub3A_841, %mul3A_839 : vector<16xf32>
      %mul3A_843 = arith.mulf %bitcast3A_834, %sub3A_842 : vector<16xf32>
      %mul3A_844 = arith.mulf %mul3A_837, %mul3A_843 : vector<16xf32>
      %mul3A_845 = arith.mulf %mul3A_844, %mul3A_843 : vector<16xf32>
      %sub3A_846 = arith.constant 1.500000e+00 : f32
      %sub3A_847 = vector.broadcast %sub3A_846 : f32 to vector<16xf32>
      %sub3A_848 = arith.subf %mul3A_845, %sub3A_847 : vector<16xf32>
      %mul3A_849 = arith.mulf %mul3A_843, %sub3A_848 : vector<16xf32>
      %mul3A_850 = arith.mulf %add3A_823, %mul3A_849 : vector<16xf32>
      %exp3A_851 = math.exp %mul3A_850 : vector<16xf32>
      %mul3A_852 = arith.mulf %gather3A_33, %mul3A_819 : vector<16xf32>
      %mul3A_853 = arith.mulf %gather3A_37, %mul3A_820 : vector<16xf32>
      %add3A_854 = arith.addf %mul3A_852, %mul3A_853 : vector<16xf32>
      %max3A_855 = arith.constant 9.99999968E-21 : f32
      %max3A_856 = vector.broadcast %max3A_855 : f32 to vector<16xf32>
      %max3A_857 = arith.maximumf %add3A_854, %max3A_856 : vector<16xf32>
      %bitcast3A_858 = vector.bitcast %max3A_857 : vector<16xf32> to vector<16xi32>
      %shift_right_logical3A_859 = arith.constant 1 : i32
      %shift_right_logical3A_860 = vector.broadcast %shift_right_logical3A_859 : i32 to vector<16xi32>
      %shift_right_logical3A_861 = arith.shrui %bitcast3A_858, %shift_right_logical3A_860 : vector<16xi32>
      %sub3A_862 = arith.constant 1597463007 : i32
      %sub3A_863 = vector.broadcast %sub3A_862 : i32 to vector<16xi32>
      %sub3A_864 = arith.subi %sub3A_863, %shift_right_logical3A_861 : vector<16xi32>
      %bitcast3A_865 = vector.bitcast %sub3A_864 : vector<16xi32> to vector<16xf32>
      %mul3A_866 = arith.constant 5.000000e-01 : f32
      %mul3A_867 = vector.broadcast %mul3A_866 : f32 to vector<16xf32>
      %mul3A_868 = arith.mulf %mul3A_867, %max3A_857 : vector<16xf32>
      %mul3A_869 = arith.mulf %mul3A_868, %bitcast3A_865 : vector<16xf32>
      %mul3A_870 = arith.mulf %mul3A_869, %bitcast3A_865 : vector<16xf32>
      %sub3A_871 = arith.constant 1.500000e+00 : f32
      %sub3A_872 = vector.broadcast %sub3A_871 : f32 to vector<16xf32>
      %sub3A_873 = arith.subf %sub3A_872, %mul3A_870 : vector<16xf32>
      %mul3A_874 = arith.mulf %bitcast3A_865, %sub3A_873 : vector<16xf32>
      %mul3A_875 = arith.mulf %mul3A_868, %mul3A_874 : vector<16xf32>
      %mul3A_876 = arith.mulf %mul3A_875, %mul3A_874 : vector<16xf32>
      %sub3A_877 = arith.constant 1.500000e+00 : f32
      %sub3A_878 = vector.broadcast %sub3A_877 : f32 to vector<16xf32>
      %sub3A_879 = arith.subf %mul3A_876, %sub3A_878 : vector<16xf32>
      %mul3A_880 = arith.mulf %mul3A_874, %sub3A_879 : vector<16xf32>
      %mul3A_881 = arith.mulf %add3A_854, %mul3A_880 : vector<16xf32>
      %exp3A_882 = math.exp %mul3A_881 : vector<16xf32>
      %mul3A_883 = arith.mulf %get3A_563, %exp3A_851 : vector<16xf32>
      %mul3A_884 = arith.mulf %get3A_567, %exp3A_882 : vector<16xf32>
      %add3A_885 = arith.addf %mul3A_883, %mul3A_884 : vector<16xf32>
      %add3A_886 = arith.addf %add3A_816, %add3A_885 : vector<16xf32>
      %sub3A_887 = arith.subf %add3A_586, %add3A_674 : vector<16xf32>
      %sub3A_888 = arith.subf %add3A_589, %add3A_677 : vector<16xf32>
      %mul3A_889 = arith.mulf %sub3A_887, %sub3A_887 : vector<16xf32>
      %mul3A_890 = arith.mulf %sub3A_888, %sub3A_888 : vector<16xf32>
      %mul3A_891 = arith.mulf %gather3A, %mul3A_889 : vector<16xf32>
      %mul3A_892 = arith.mulf %gather3A_29, %mul3A_890 : vector<16xf32>
      %add3A_893 = arith.addf %mul3A_891, %mul3A_892 : vector<16xf32>
      %max3A_894 = arith.constant 9.99999968E-21 : f32
      %max3A_895 = vector.broadcast %max3A_894 : f32 to vector<16xf32>
      %max3A_896 = arith.maximumf %add3A_893, %max3A_895 : vector<16xf32>
      %bitcast3A_897 = vector.bitcast %max3A_896 : vector<16xf32> to vector<16xi32>
      %shift_right_logical3A_898 = arith.constant 1 : i32
      %shift_right_logical3A_899 = vector.broadcast %shift_right_logical3A_898 : i32 to vector<16xi32>
      %shift_right_logical3A_900 = arith.shrui %bitcast3A_897, %shift_right_logical3A_899 : vector<16xi32>
      %sub3A_901 = arith.constant 1597463007 : i32
      %sub3A_902 = vector.broadcast %sub3A_901 : i32 to vector<16xi32>
      %sub3A_903 = arith.subi %sub3A_902, %shift_right_logical3A_900 : vector<16xi32>
      %bitcast3A_904 = vector.bitcast %sub3A_903 : vector<16xi32> to vector<16xf32>
      %mul3A_905 = arith.constant 5.000000e-01 : f32
      %mul3A_906 = vector.broadcast %mul3A_905 : f32 to vector<16xf32>
      %mul3A_907 = arith.mulf %mul3A_906, %max3A_896 : vector<16xf32>
      %mul3A_908 = arith.mulf %mul3A_907, %bitcast3A_904 : vector<16xf32>
      %mul3A_909 = arith.mulf %mul3A_908, %bitcast3A_904 : vector<16xf32>
      %sub3A_910 = arith.constant 1.500000e+00 : f32
      %sub3A_911 = vector.broadcast %sub3A_910 : f32 to vector<16xf32>
      %sub3A_912 = arith.subf %sub3A_911, %mul3A_909 : vector<16xf32>
      %mul3A_913 = arith.mulf %bitcast3A_904, %sub3A_912 : vector<16xf32>
      %mul3A_914 = arith.mulf %mul3A_907, %mul3A_913 : vector<16xf32>
      %mul3A_915 = arith.mulf %mul3A_914, %mul3A_913 : vector<16xf32>
      %sub3A_916 = arith.constant 1.500000e+00 : f32
      %sub3A_917 = vector.broadcast %sub3A_916 : f32 to vector<16xf32>
      %sub3A_918 = arith.subf %mul3A_915, %sub3A_917 : vector<16xf32>
      %mul3A_919 = arith.mulf %mul3A_913, %sub3A_918 : vector<16xf32>
      %mul3A_920 = arith.mulf %add3A_893, %mul3A_919 : vector<16xf32>
      %exp3A_921 = math.exp %mul3A_920 : vector<16xf32>
      %mul3A_922 = arith.mulf %gather3A_33, %mul3A_889 : vector<16xf32>
      %mul3A_923 = arith.mulf %gather3A_37, %mul3A_890 : vector<16xf32>
      %add3A_924 = arith.addf %mul3A_922, %mul3A_923 : vector<16xf32>
      %max3A_925 = arith.constant 9.99999968E-21 : f32
      %max3A_926 = vector.broadcast %max3A_925 : f32 to vector<16xf32>
      %max3A_927 = arith.maximumf %add3A_924, %max3A_926 : vector<16xf32>
      %bitcast3A_928 = vector.bitcast %max3A_927 : vector<16xf32> to vector<16xi32>
      %shift_right_logical3A_929 = arith.constant 1 : i32
      %shift_right_logical3A_930 = vector.broadcast %shift_right_logical3A_929 : i32 to vector<16xi32>
      %shift_right_logical3A_931 = arith.shrui %bitcast3A_928, %shift_right_logical3A_930 : vector<16xi32>
      %sub3A_932 = arith.constant 1597463007 : i32
      %sub3A_933 = vector.broadcast %sub3A_932 : i32 to vector<16xi32>
      %sub3A_934 = arith.subi %sub3A_933, %shift_right_logical3A_931 : vector<16xi32>
      %bitcast3A_935 = vector.bitcast %sub3A_934 : vector<16xi32> to vector<16xf32>
      %mul3A_936 = arith.constant 5.000000e-01 : f32
      %mul3A_937 = vector.broadcast %mul3A_936 : f32 to vector<16xf32>
      %mul3A_938 = arith.mulf %mul3A_937, %max3A_927 : vector<16xf32>
      %mul3A_939 = arith.mulf %mul3A_938, %bitcast3A_935 : vector<16xf32>
      %mul3A_940 = arith.mulf %mul3A_939, %bitcast3A_935 : vector<16xf32>
      %sub3A_941 = arith.constant 1.500000e+00 : f32
      %sub3A_942 = vector.broadcast %sub3A_941 : f32 to vector<16xf32>
      %sub3A_943 = arith.subf %sub3A_942, %mul3A_940 : vector<16xf32>
      %mul3A_944 = arith.mulf %bitcast3A_935, %sub3A_943 : vector<16xf32>
      %mul3A_945 = arith.mulf %mul3A_938, %mul3A_944 : vector<16xf32>
      %mul3A_946 = arith.mulf %mul3A_945, %mul3A_944 : vector<16xf32>
      %sub3A_947 = arith.constant 1.500000e+00 : f32
      %sub3A_948 = vector.broadcast %sub3A_947 : f32 to vector<16xf32>
      %sub3A_949 = arith.subf %mul3A_946, %sub3A_948 : vector<16xf32>
      %mul3A_950 = arith.mulf %mul3A_944, %sub3A_949 : vector<16xf32>
      %mul3A_951 = arith.mulf %add3A_924, %mul3A_950 : vector<16xf32>
      %exp3A_952 = math.exp %mul3A_951 : vector<16xf32>
      %mul3A_953 = arith.mulf %get3A_563, %exp3A_921 : vector<16xf32>
      %mul3A_954 = arith.mulf %get3A_567, %exp3A_952 : vector<16xf32>
      %add3A_955 = arith.addf %mul3A_953, %mul3A_954 : vector<16xf32>
      %add3A_956 = arith.addf %add3A_886, %add3A_955 : vector<16xf32>
      %max3A_957 = arith.constant 9.99999996E-13 : f32
      %max3A_958 = vector.broadcast %max3A_957 : f32 to vector<16xf32>
      %max3A_959 = arith.maximumf %add3A_956, %max3A_958 : vector<16xf32>
      %div3A_960 = arith.constant 1.000000e+00 : f32
      %div3A_961 = vector.broadcast %div3A_960 : f32 to vector<16xf32>
      %div3A_962 = arith.divf %div3A_961, %max3A_959 : vector<16xf32>
      %jit3A_963 = arith.constant 8 : i32
      %div3A_964 = arith.divsi %scan3A_529, %jit3A_963 : i32
      %sign3A_965 = arith.constant 0 : i32
      %sign3A_966 = arith.cmpi sgt, %scan3A_529, %sign3A_965 : i32
      %sign3A_967 = arith.extui %sign3A_966 : i1 to i32
      %sign3A_968 = arith.constant 0 : i32
      %sign3A_969 = arith.cmpi slt, %scan3A_529, %sign3A_968 : i32
      %sign3A_970 = arith.extui %sign3A_969 : i1 to i32
      %sign3A_971 = arith.subi %sign3A_967, %sign3A_970 : i32
      %sign3A_972 = arith.constant 0 : i32
      %sign3A_973 = arith.cmpi sgt, %jit3A_963, %sign3A_972 : i32
      %sign3A_974 = arith.extui %sign3A_973 : i1 to i32
      %sign3A_975 = arith.constant 0 : i32
      %sign3A_976 = arith.cmpi slt, %jit3A_963, %sign3A_975 : i32
      %sign3A_977 = arith.extui %sign3A_976 : i1 to i32
      %sign3A_978 = arith.subi %sign3A_974, %sign3A_977 : i32
      %ne3A_979 = arith.cmpi ne, %sign3A_971, %sign3A_978 : i32
      %rem3A_980 = arith.remsi %scan3A_529, %jit3A_963 : i32
      %ne3A_981 = arith.constant 0 : i32
      %ne3A_982 = arith.cmpi ne, %rem3A_980, %ne3A_981 : i32
      %and3A_983 = arith.andi %ne3A_979, %ne3A_982 : i1
      %sub3A_984 = arith.constant 1 : i32
      %sub3A_985 = arith.subi %div3A_964, %sub3A_984 : i32
      %select_n3A_986 = arith.select %and3A_983, %sub3A_985, %div3A_964 : i32
      %mul3A_987 = arith.constant 512 : i32
      %mul3A_988 = arith.muli %select_n3A_986, %mul3A_987 : i32
      %jit3A_989 = arith.constant 8 : i32
      %eq3A_990 = arith.constant 0 : i32
      %eq3A_991 = arith.cmpi eq, %jit3A_989, %eq3A_990 : i32
      %jit3A_992 = arith.constant 1 : i32
      %select_n3A_993 = arith.select %eq3A_991, %jit3A_992, %jit3A_989 : i32
      %rem3A_994 = arith.remsi %scan3A_529, %select_n3A_993 : i32
      %ne3A_995 = arith.constant 0 : i32
      %ne3A_996 = arith.cmpi ne, %rem3A_994, %ne3A_995 : i32
      %lt3A_997 = arith.constant 0 : i32
      %lt3A_998 = arith.cmpi slt, %rem3A_994, %lt3A_997 : i32
      %lt3A_999 = arith.constant 0 : i32
      %lt3A_1000 = arith.cmpi slt, %select_n3A_993, %lt3A_999 : i32
      %ne3A_1001 = arith.xori %lt3A_998, %lt3A_1000 : i1
      %and3A_1002 = arith.andi %ne3A_1001, %ne3A_996 : i1
      %add3A_1003 = arith.addi %rem3A_994, %select_n3A_993 : i32
      %select_n3A_1004 = arith.select %and3A_1002, %add3A_1003, %rem3A_994 : i32
      %mul3A_1005 = arith.constant 16 : i32
      %mul3A_1006 = arith.muli %select_n3A_1004, %mul3A_1005 : i32
      %add3A_1007 = arith.addi %mul3A_988, %mul3A_1006 : i32
      %mul3A_1008 = arith.mulf %add3A_746, %div3A_962 : vector<16xf32>
      %add3A_1009 = arith.constant 0 : i32
      %add3A_1010 = arith.addi %add3A_1007, %add3A_1009 : i32
      %swap3A_1011 = arith.index_cast %add3A_1010 : i32 to index
      %swap3A_1012 = tpu.vector_load %arg11[%swap3A_1011] {strides = array<i32>} : memref<2048xf32, #tpu.memory_space<vmem>>, vector<16xf32>,
      tpu.vector_store %arg11[%swap3A_1011], %mul3A_1008 {strides = array<i32>} : memref<2048xf32, #tpu.memory_space<vmem>>, vector<16xf32>,
      %mul3A_1013 = arith.mulf %add3A_815, %div3A_962 : vector<16xf32>
      %add3A_1014 = arith.constant 128 : i32
      %add3A_1015 = arith.addi %add3A_1007, %add3A_1014 : i32
      %swap3A_1016 = arith.index_cast %add3A_1015 : i32 to index
      %swap3A_1017 = tpu.vector_load %arg11[%swap3A_1016] {strides = array<i32>} : memref<2048xf32, #tpu.memory_space<vmem>>, vector<16xf32>,
      tpu.vector_store %arg11[%swap3A_1016], %mul3A_1013 {strides = array<i32>} : memref<2048xf32, #tpu.memory_space<vmem>>, vector<16xf32>,
      %mul3A_1018 = arith.mulf %add3A_885, %div3A_962 : vector<16xf32>
      %add3A_1019 = arith.constant 256 : i32
      %add3A_1020 = arith.addi %add3A_1007, %add3A_1019 : i32
      %swap3A_1021 = arith.index_cast %add3A_1020 : i32 to index
      %swap3A_1022 = tpu.vector_load %arg11[%swap3A_1021] {strides = array<i32>} : memref<2048xf32, #tpu.memory_space<vmem>>, vector<16xf32>,
      tpu.vector_store %arg11[%swap3A_1021], %mul3A_1018 {strides = array<i32>} : memref<2048xf32, #tpu.memory_space<vmem>>, vector<16xf32>,
      %mul3A_1023 = arith.mulf %add3A_955, %div3A_962 : vector<16xf32>
      %add3A_1024 = arith.constant 384 : i32
      %add3A_1025 = arith.addi %add3A_1007, %add3A_1024 : i32
      %swap3A_1026 = arith.index_cast %add3A_1025 : i32 to index
      %swap3A_1027 = tpu.vector_load %arg11[%swap3A_1026] {strides = array<i32>} : memref<2048xf32, #tpu.memory_space<vmem>>, vector<16xf32>,
      tpu.vector_store %arg11[%swap3A_1026], %mul3A_1023 {strides = array<i32>} : memref<2048xf32, #tpu.memory_space<vmem>>, vector<16xf32>,
    }
    %scan3A_42 = arith.constant 32 : i32
    %mul3A_43 = arith.constant 2048 : i32
    %mul3A_44 = arith.muli %add3A, %mul3A_43 : i32
    "tpu.region"() ({
      %run_scoped3A = tpu.sem_alloc : memref<!tpu.dma_semaphore, #tpu.memory_space<semaphore_mem>>
      %dma_start3A_45 = tpu.memref_slice %arg6[%mul3A_44] : memref<65536xf32, #tpu.memory_space<hbm>> -> memref<2048xf32, #tpu.memory_space<hbm>>
      %dma_start3A_46 = tpu.memref_slice %arg6[%mul3A_44] : memref<65536xf32, #tpu.memory_space<hbm>> -> memref<2048xf32, #tpu.memory_space<hbm>>
      tpu.enqueue_dma source(%arg11 : memref<2048xf32, #tpu.memory_space<vmem>>) target(%dma_start3A_46 : memref<2048xf32, #tpu.memory_space<hbm>>) target_semaphore(%run_scoped3A : memref<!tpu.dma_semaphore, #tpu.memory_space<semaphore_mem>>)
      %dma_wait3A_47 = tpu.memref_slice %arg6[%mul3A_44] : memref<65536xf32, #tpu.memory_space<hbm>> -> memref<2048xf32, #tpu.memory_space<hbm>>
      %dma_wait3A_48 = tpu.memref_slice %arg6[%mul3A_44] : memref<65536xf32, #tpu.memory_space<hbm>> -> memref<2048xf32, #tpu.memory_space<hbm>>
      tpu.wait_dma2 semaphore(%run_scoped3A : memref<!tpu.dma_semaphore, #tpu.memory_space<semaphore_mem>>) src(%arg11 : memref<2048xf32, #tpu.memory_space<vmem>>) dst(%dma_wait3A_48 : memref<2048xf32, #tpu.memory_space<hbm>>)
      tpu.yield
    }) : () -> ()
    return
  }
}

</mosaic_0001>

<sc_bundles>
// kernel: kernel.3.cloned.1.call-start
scs
__scs_entry_jumppad:
0x0: {  	(pc) =	sbr.rel $0x88, $3  }
0x1: {  	(tag) =	ssettag $0x0;
	lr =	simm.s32 $0x1  }
0x2: {  	[smem:$0x3F9A] =	sst lr;
	_ =	strace $0xD0000000  }
0x3: {  	_ = 	snop  }
0x4: {  	_ = 	snop  }
0x5: {  	_ = 	snop  }
0x6: {  	_ = 	snop  }
0x7: {  	_ = 	snop  }
__scs_overlays_trampoline_lowered:
0x8: {  	[smem:$0x3FA9] =	sst s0  }
0x9: {  	[smem:$0x3FAA] =	sst s1  }
0xa: {  	[smem:$0x3FAB] =	sst s2  }
0xb: {  	[smem:$0x3FAC] =	sst s3  }
0xc: {  	[smem:$0x3FAD] =	sst s4  }
0xd: {  	[smem:$0x3FAE] =	sst s5  }
0xe: {  	[smem:$0x3FAF] =	sst s6  }
0xf: {  	[smem:$0x3FB0] =	sst s7  }
0x10: {  	[smem:$0x3FB1] =	sst s8  }
0x11: {  	[smem:$0x3FB2] =	sst s9;
	s0 =	simm.s32 @!p0 $0x0  }
0x12: {  	s1 =	sld [smem:$0x3F98];
	s0 =	simm.s32 @p0 $0x1  }
0x13: {  	[smem:$0x3FB3] =	sst s0;
	s0 =	simm.s32 @!p1 $0x0  }
0x14: {  	s2 =	sld [smem:$0x3F97];
	s0 =	simm.s32 @p1 $0x1  }
0x15: {  	[smem:$0x3FB4] =	sst s0;
	s0 =	simm.s32 @!p2 $0x0  }
0x16: {  	s3 =	sld [smem:$0x3FDB];
	s0 =	simm.s32 @p2 $0x1  }
0x17: {  	s4 =	simm.s32 $0x1BF5;
	[smem:$0x3FB6] =	sst s0  }
0x18: {  	s0 =	sld [smem:$0x3F99];
	_ =	swait.ge [sflag:s4], $0x0  }
0x19: {  	s7 =	sld [smem:$0x3F9A]  }
0x1a: {  	s8 =	sadd.s32 $0xFFFFE003, lr  }
0x1b: {  	s9 =	sadd.s32 $0xFFFFFEF7, lr;
	s5 =	simm.s32 $0xFFFFFFFF;
	p2 =	slt.u32 s8, $0xFFFFF086  }
0x1c: {  	p1 =	slt.u32 s9, $0xF7A;
	s5 =	simm.s32 @!p2 $0x0  }
0x1d: {  	s5 =	simm.s32 @p1 $0x1;
	p0 =	seq.s32 s7, s2  }
0x1e: {  	s7 =	smul.u32 @!p0 $0xF7A, s2;
	p2 =	seq.s32 @!p0 s5, $0x0  }
0x1f: {  	s9 =	smul.u32 $0xF7A, s1;
	s8 =	simm.s32 @!p0 $0x1BF5;
	p2 =	por !p2, p0  }
0x20: {  	[sflag:s8] =	ssyncset.s32 @!p0 $0xFFFFF086;
	s6 =	sadd.s32 @!p0 s3, s7;
	s7 =	simm.s32 @!p0 $0x108  }
0x21: {  	s3 =	sadd.s32 s3, s9;
	s6 =	sadd.s32 @!p0 $0x88, s6;
	s7 =	simm.s32 @p2 $0x1082  }
0x22: {  	[simem:s7], [sflag:s8] =	dma.local @!p0 [hbm:s6], $0xF7A  }
0x23: {  	s9 =	sor.u32 $0xD0000000, s2;
	s6 =	simm.s32 $0x108;
	_ =	swait.ge @!p0 [sflag:s8], $0x0  }
0x24: {  	s3 =	sadd.s32 $0x88, s3;
	s6 =	simm.s32 @!p1 $0x1082;
	[sflag:s4] =	ssyncset.s32 $0xFFFFF086  }
0x25: {  	[simem:s6], [sflag:s4] =	dma.local [hbm:s3], $0xF7A  }
0x26: {  	[smem:$0x3F9A] =	sst s1;
	(tag) =	ssettag s2;
	_ =	strace s9  }
0x27: {  	s1 =	sld [smem:$0x3FAA]  }
0x28: {  	s2 =	sld [smem:$0x3FAB]  }
0x29: {  	s4 =	sld [smem:$0x3FAD]  }
0x2a: {  	p0 =	seq.s32 s5, $0x0;
	s5 =	sld [smem:$0x3FAE]  }
0x2b: {  	s6 =	sld [smem:$0x3FAF]  }
0x2c: {  	s7 =	sld [smem:$0x3FB0]  }
0x2d: {  	s3 =	simm.s32 $0x108;
	s8 =	sld [smem:$0x3FB1]  }
0x2e: {  	s3 =	simm.s32 @!p0 $0x1082;
	s9 =	sld [smem:$0x3FB2]  }
0x2f: {  	lr =	sadd.s32 s0, s3;
	s0 =	sld [smem:$0x3FA9]  }
0x30: {  	s3 =	sld [smem:$0x3FAC]  }
0x31: {  	[smem:$0x3FB5] =	sst s10  }
0x32: {  	s10 =	sld [smem:$0x3FB3];
	_ =	sdelay $0x3  }
0x33: {  	p0 =	seq.s32 s10, $0x1;
	s10 =	sld [smem:$0x3FB5];
	_ =	sdelay $0x3  }
0x34: {  	[smem:$0x3FB5] =	sst s10  }
0x35: {  	s10 =	sld [smem:$0x3FB4];
	_ =	sdelay $0x3  }
0x36: {  	p1 =	seq.s32 s10, $0x1;
	s10 =	sld [smem:$0x3FB5];
	_ =	sdelay $0x3  }
0x37: {  	[smem:$0x3FB5] =	sst s10  }
0x38: {  	s10 =	sld [smem:$0x3FB6]  }
0x39: {  	_ = 	snop;
	(pc) =	sbr.ind lr, $3  }
0x3a: {  	_ = 	snop  }
0x3b: {  	_ = 	snop  }
0x3c: {  	p2 =	seq.s32 s10, $0x1;
	s10 =	sld [smem:$0x3FB5]  }
0x3d: {  	_ =	shalt  }
0x3e: {  	_ =	shalt  }
0x3f: {  	_ =	shalt  }
0x40: {  	_ =	shalt  }
0x41: {  	_ =	shalt  }
0x42: {  	_ =	shalt  }
0x43: {  	_ =	shalt  }
0x44: {  	_ =	shalt  }
0x45: {  	_ =	shalt  }
0x46: {  	_ =	shalt  }
0x47: {  	_ =	shalt  }
0x48: {  	_ =	shalt  }
0x49: {  	_ =	shalt  }
0x4a: {  	_ =	shalt  }
0x4b: {  	_ =	shalt  }
0x4c: {  	_ =	shalt  }
0x4d: {  	_ =	shalt  }
0x4e: {  	_ =	shalt  }
0x4f: {  	_ =	shalt  }
0x50: {  	_ =	shalt  }
0x51: {  	_ =	shalt  }
0x52: {  	_ =	shalt  }
0x53: {  	_ =	shalt  }
0x54: {  	_ =	shalt  }
0x55: {  	_ =	shalt  }
0x56: {  	_ =	shalt  }
0x57: {  	_ =	shalt  }
0x58: {  	_ =	shalt  }
0x59: {  	_ =	shalt  }
0x5a: {  	_ =	shalt  }
0x5b: {  	_ =	shalt  }
0x5c: {  	_ =	shalt  }
0x5d: {  	_ =	shalt  }
0x5e: {  	_ =	shalt  }
0x5f: {  	_ =	shalt  }
0x60: {  	_ =	shalt  }
0x61: {  	_ =	shalt  }
0x62: {  	_ =	shalt  }
0x63: {  	_ =	shalt  }
0x64: {  	_ =	shalt  }
0x65: {  	_ =	shalt  }
0x66: {  	_ =	shalt  }
0x67: {  	_ =	shalt  }
0x68: {  	_ =	shalt  }
0x69: {  	_ =	shalt  }
0x6a: {  	_ =	shalt  }
0x6b: {  	_ =	shalt  }
0x6c: {  	_ =	shalt  }
0x6d: {  	_ =	shalt  }
0x6e: {  	_ =	shalt  }
0x6f: {  	_ =	shalt  }
0x70: {  	_ =	shalt  }
0x71: {  	_ =	shalt  }
0x72: {  	_ =	shalt  }
0x73: {  	_ =	shalt  }
0x74: {  	_ =	shalt  }
0x75: {  	_ =	shalt  }
0x76: {  	_ =	shalt  }
0x77: {  	_ =	shalt  }
0x78: {  	_ =	shalt  }
0x79: {  	_ =	shalt  }
0x7a: {  	_ =	shalt  }
0x7b: {  	_ =	shalt  }
0x7c: {  	_ =	shalt  }
0x7d: {  	_ =	shalt  }
0x7e: {  	_ =	shalt  }
0x7f: {  	_ =	shalt  }
0x80: {  	_ =	shalt  }
0x81: {  	_ =	shalt  }
0x82: {  	_ =	shalt  }
0x83: {  	_ =	shalt  }
0x84: {  	_ =	shalt  }
0x85: {  	_ =	shalt  }
0x86: {  	_ =	shalt  }
0x87: {  	_ =	shalt  }
.Lfunc_end0:
.L_simem_size_0:
called_computation_lowered:
.L_overlay_start_0:
0x88: {  	s2 =	sld [smem:$0x3FD9]  }
0x89: {  	s3 =	sld [smem:$0x3FFE];
	_ =	sdelay $0x1  }
0x8a: {  	s1 =	srdreg.scid  }
0x8b: {  	s0 =	sand.u32 $0x1, s1  }
0x8c: {  	s17 =	sshll.u32 s0, $0xA;
	s2 =	sadd.s32 s3, s2  }
0x8d: {  	s2 =	sadd.s32 s2, s17  }
0x8e: {  	[smem:$0x3FC1] =	sst s2  }
0x8f: {  	_ = 	snop  }
0x90: {  	s2 =	sld [smem:$0x3FC9]  }
0x91: {  	s18 =	sld [smem:$0x3FC8]  }
0x92: {  	s4 =	sld [smem:$0x3FC7]  }
0x93: {  	s5 =	sld [smem:$0x3FD0];
	(tm) =	ssettm $0x1  }
0x94: {  	s6 =	sld [smem:$0x3FFB];
	_ =	sdelay $0x3  }
0x95: {  	_ =	strace s6  }
0x96: {  	s6 =	sld [smem:$0x3FFC];
	_ =	sdelay $0x3  }
0x97: {  	_ =	strace s6  }
0x98: {  	s6 =	sld [smem:$0x3FFD];
	_ =	sdelay $0x3  }
0x99: {  	_ =	strace s6  }
0x9a: {  	_ =	strace $0x8FFFFFFF  }
0x9b: {  	s19 =	sld [smem:$0x3FDB];
	_ =	sdelay $0x1  }
0x9c: {  	s7 =	simm.s32 $_scs_section_size  }
0x9d: {  	s8 =	simm.s32 $_size__tile_overlayer_lowered;
	s9 =	simm.s32 $_tile_overlayer_lowered  }
0x9e: {  	s22 =	simm.s32 $0x1BFF;
	s21 =	sshll.u32 s9, $0x1;
	s6 =	sadd.s32 s7, s19  }
0x9f: {  	s10 =	simm.s32 $0x0;
	s20 =	sshll.u32 s8, $0x1;
	s8 =	sadd.s32 s21, s6  }
0xa0: {  	[timem:s10], [sflag:s22] =	dma.local [hbm:s8], s20  }
0xa1: {  	_ =	swait.ge [sflag:s22], s20  }
0xa2: {  	s7 =	ssub.s32 $0x0, s20;
	[sflag:s22] =	ssyncset.done $0x0  }
0xa3: {  	[sflag:s22] =	ssyncadd.s32 s7;
	_ =	sdelay $0x1  }
0xa4: {  	s23 =	simm.s32 $0x1B8B  }
0xa5: {  	_ =	swait.ge [sflag:s23], $0x1  }
0xa6: {  	[sflag:s23] =	ssyncset.done $0x0  }
0xa7: {  	s25 =	simm.s32 $0x1B8E;
	s24 =	sld [smem:$0x3FFE];
	[sflag:s23] =	ssyncadd.s32 $0xFFFFFFFF  }
0xa8: {  	s26 =	simm.s32 $execute0_lowered;
	[smem:$0x3FD2] =	sst s25  }
0xa9: {  	s8 =	sshll.u32 s26, $0x1;
	_ =	strace $0x80000046;
	[dreg:$0x1] =	wrdreg $0xFFFFFFFF  }
0xaa: {  	s28 =	simm.s32 $_size_execute0_lowered;
	s6 =	sadd.s32 s6, s8;
	[dreg:$0x0] =	wrdreg $0x0  }
0xab: {  	s8 =	sshll.u32 s28, $0x1;
	[dreg:$0x2] =	wrdreg s6  }
0xac: {  	[dreg:$0x3] =	wrdreg s8  }
0xad: {  	[dreg:$0x4] =	wrdreg $0xC0  }
0xae: {  	_ =	task [dreg:s10], $0x5FFFF  }
0xaf: {  	[dreg:$0x1] =	wrdreg $0xFFFFFFFF  }
0xb0: {  	[dreg:$0x0] =	wrdreg $0x60  }
0xb1: {  	[dreg:$0x2] =	wrdreg s2  }
0xb2: {  	[dreg:$0x3] =	wrdreg s18  }
0xb3: {  	[dreg:$0x4] =	wrdreg s4  }
0xb4: {  	[dreg:$0x5] =	wrdreg s24  }
0xb5: {  	[dreg:$0x6] =	wrdreg s5  }
0xb6: {  	[dreg:$0x7] =	wrdreg $0x9  }
0xb7: {  	_ =	task.clear_ibuf [dreg:s10], $0x8FFFF;
	_ =	strace $0x90000046  }
0xb8: {  	s29 =	simm.s32 $0x9;
	_ =	strace $0x80000048  }
0xb9: {  	_ =	swait.ge [sflag:s29], $0x1  }
0xba: {  	[sflag:s29] =	ssyncadd.s32 $0xFFFFFFFF  }
0xbb: {  	_ =	strace $0x90000048  }
0xbc: {  	_ =	sfence  }
0xbd: {  	s30 =	sld [smem:$0x0];
	_ =	sdelay $0x2  }
0xbe: {  	s31 =	sshll.u32 s1, $0xD;
	s1 =	sshrl.u32 s1, $0x2  }
0xbf: {  	s3 =	sand.u32 $0x4000, s31;
	s1 =	sadd.s32 s1, s30  }
0xc0: {  	s0 =	sor.u32 s3, s0;
	s1 =	sshll.u32 s1, $0x11  }
0xc1: {  	s0 =	sor.u32 s1, s0  }
0xc2: {  	s0 =	sadd.s32 $0x8F2B, s0  }
0xc3: {  	[sflag:s0] =	ssyncadd.remote.s32 $0x1  }
0xc4: {  	_ =	sfence.sel $0xFFFF  }
0xc5: {  	[dreg:$0x0] =	wrdreg $0xFFFFFFFF;
	(pc) =	sbr.abs _section_cstart, $3  }
0xc6: {  	[dreg:$0x1] =	wrdreg $0xFFFFFFFF  }
0xc7: {  	_ =	task.clear_ibuf [dreg:s10], $0x2FFFF;
	_ =	strace $0x9FFFFFFF  }
0xc8: {  	(tm) =	ssettm $0x7FFFFFFF  }
0xc9: {  	_ =	shalt  }
tec
execute0_lowered:
.L_overlay_start_1:
0x0: {  	(tag) =	ssettag $0x1  }
0x1: {  	s4 =	rddreg [dreg:$0x0]  }
0x2: {  	s5 =	rddreg [dreg:$0x1]  }
0x3: {  	s6 =	rddreg [dreg:$0x2]  }
0x4: {  	s3 =	rddreg [dreg:$0x3]  }
0x5: {  	s7 =	rddreg [dreg:$0x4]  }
0x6: {  	s0 =	rddreg [dreg:$0x5]  }
0x7: {  	s2 =	simm.s32 $0x0;
	s8 =	srdreg.scid;
	s1 =	stileid.u32  }
0x8: {  	s12 =	simm.s32 $0x1;
	s13 =	simm.s32 $0x1880;
	s14 =	simm.s32 $0x2  }
0x9: {  	s15 =	simm.s32 $0x0;
	[smem:$0x7FF] =	sst s2;
	s8 =	sand.u32 $0x1, s8  }
0xa: {  	s9 =	sshll.u32 s1, $0x1;
	s3 =	sadd.s32 $0xE00, s3;
	s10 =	ssub.s32 $0x2, s8  }
0xb: {  	_ =	strace $0x80000047;
	s8 =	sor.u32 s8, s9;
	s30 =	sshrl.u32 s10, $0x1  }
0xc: {  	s11 =	sshll.u32 s8, $0x9;
	s31 =	sshll.u32 s8, $0x7;
	s8 =	sshll.u32 s8, $0x8  }
0xd: {  	s9 =	ssub.s32 s10, s30;
	s4 =	sadd.s32 s4, s11;
	s5 =	sadd.s32 s5, s31  }
0xe: {  	v0 =	vimm.s32 $0x7C;
	s6 =	sadd.s32 s6, s31;
	s7 =	sadd.s32 s7, s8;
	s10 =	simm.s32 $0x1400  }
0xf: {  	v1 =	vimm.s32 $0x7D;
	v2 =	vimm.s32 $0x7E;
	v3 =	vimm.s32 $0x7F;
	s11 =	simm.s32 $0x1800;
	s8 =	smax.u32 s9, $0x1;
	s9 =	simm.s32 $0x1000  }
.LBB2_1:
0x10: {  	[tilespmem:s2], [sflag:$0x1] =	stream.linear.gather [hbm4b:s4+s2], $0x1000, $0x38;
	[tilespmem:$0x2080] =	vst v63  }
0x11: {  	_ = 	snop  }
0x12: {  	[tilespmem:s9], [sflag:$0x1] =	stream.linear.gather [hbm4b:s5+s2], $0x400, $0x38;
	[tilespmem:$0x2080] =	vst v63  }
0x13: {  	_ = 	snop  }
0x14: {  	[tilespmem:s10], [sflag:$0x1] =	stream.linear.gather [hbm4b:s6+s2], $0x400, $0x38;
	[tilespmem:$0x2080] =	vst v63  }
0x15: {  	_ = 	snop  }
0x16: {  	[tilespmem:s11], [sflag:$0x1] =	stream.linear.gather [hbm4b:s3+s2], $0x80, $0x38;
	[tilespmem:$0x2080] =	vst v63  }
0x17: {  	_ =	swait.ge [sflag:s12], $0x1000  }
0x18: {  	[sflag:s12] =	ssyncset.done $0x0  }
0x19: {  	[sflag:s12] =	ssyncadd.s32 $0xFFFFF000  }
0x1a: {  	_ =	swait.ge [sflag:s12], $0x400  }
0x1b: {  	[sflag:s12] =	ssyncset.done $0x0  }
0x1c: {  	[sflag:s12] =	ssyncadd.s32 $0xFFFFFC00  }
0x1d: {  	_ =	swait.ge [sflag:s12], $0x400  }
0x1e: {  	[sflag:s12] =	ssyncset.done $0x0  }
0x1f: {  	[sflag:s12] =	ssyncadd.s32 $0xFFFFFC00  }
0x20: {  	_ =	swait.ge [sflag:s12], $0x80  }
0x21: {  	[sflag:s12] =	ssyncset.done $0x0  }
0x22: {  	[sflag:s12] =	ssyncadd.s32 $0xFFFFFF80  }
0x23: {  	v4 =	vld.idx.msk [tilespmem:v0+s11+$0x0], $0xffff  }
0x24: {  	v5 =	vld.idx.msk [tilespmem:v1+s11+$0x0], $0xffff  }
0x25: {  	v6 =	vld.idx.msk [tilespmem:v2+s11+$0x0], $0xffff  }
0x26: {  	s16 =	simm.s32 $0xFFFFFFFE;
	s17 =	simm.s32 $0x0;
	s18 =	simm.s32 $0x0;
	v7 =	vld.idx.msk [tilespmem:v3+s11+$0x0], $0xffff  }
.LBB2_2:
0x27: {  	s16 =	sadd.s32 $0x2, s16  }
0x28: {  	s19 =	sshll.u32 s16, $0x7  }
0x29: {  	s21 =	sand.u32 $0x60, s18;
	s19 =	sand.u32 $0x3FFFFC00, s19  }
0x2a: {  	s23 =	sor.u32 s21, s19  }
0x2b: {  	v8 =	vld [tilespmem:s23+$0x0]  }
0x2c: {  	v9 =	vld [tilespmem:s23+$0x80]  }
0x2d: {  	v11 =	vld [tilespmem:s23+$0x100];
	_ =	sdelay $0x2  }
0x2e: {  	s20 =	sshll.u32 s16, $0x5;
	v8 =	vshll.u32 v8, $0x1  }
0x2f: {  	s20 =	sand.u32 $0xFFFFFF00, s20;
	v9 =	vshll.u32 v9, $0x1  }
0x30: {  	s22 =	sor.u32 s21, s20;
	v11 =	vshll.u32 v11, $0x1  }
0x31: {  	v13 =	vld [tilespmem:s22+$0x1000];
	v10 =	vor.u32 $0x1, v8  }
0x32: {  	v15 =	vld [tilespmem:s22+$0x1080];
	v12 =	vadd.s32 $0x3E, v8  }
0x33: {  	v14 =	vadd.s32 $0x3F, v8;
	v8 =	vld.idx.msk [tilespmem:v8+s11+$0x0], $0xffff  }
0x34: {  	v16 =	vor.u32 $0x1, v9;
	v17 =	vadd.s32 $0x3E, v9;
	v18 =	vadd.s32 $0x3F, v9;
	v9 =	vld.idx.msk [tilespmem:v9+s11+$0x0], $0xffff  }
0x35: {  	v33 =	vld.idx.msk [tilespmem:v11+s11+$0x0], $0xffff  }
0x36: {  	v10 =	vld.idx.msk [tilespmem:v10+s11+$0x0], $0xffff  }
0x37: {  	v12 =	vld.idx.msk [tilespmem:v12+s11+$0x0], $0xffff  }
0x38: {  	v14 =	vld.idx.msk [tilespmem:v14+s11+$0x0], $0xffff  }
0x39: {  	v16 =	vld.idx.msk [tilespmem:v16+s11+$0x0], $0xffff  }
0x3a: {  	v17 =	vld.idx.msk [tilespmem:v17+s11+$0x0], $0xffff  }
0x3b: {  	v29 =	vadd.s32 $0x3E, v11;
	v32 =	vor.u32 $0x1, v11;
	v11 =	vadd.s32 $0x3F, v11;
	v18 =	vld.idx.msk [tilespmem:v18+s11+$0x0], $0xffff  }
0x3c: {  	v21 =	vld [tilespmem:s23+$0x200]  }
0x3d: {  	v8 =	vmul.f32 v8, v13;
	v9 =	vmul.f32 v9, v13  }
0x3e: {  	v12 =	vmul.f32 v12, v15;
	v10 =	vmul.f32 v10, v13  }
0x3f: {  	v31 =	vld [tilespmem:s23+$0x180];
	v14 =	vmul.f32 v14, v15;
	v17 =	vmul.f32 v17, v15  }
0x40: {  	v11 =	vld.idx.msk [tilespmem:v11+s11+$0x0], $0xffff;
	v16 =	vmul.f32 v16, v13;
	v18 =	vmul.f32 v18, v15  }
0x41: {  	v21 =	vshll.u32 v21, $0x1;
	v8 =	vadd.f32 v12, v8;
	v10 =	vadd.f32 v14, v10;
	v12 =	vld.idx.msk [tilespmem:v29+s11+$0x0], $0xffff  }
0x42: {  	v9 =	vadd.f32 v17, v9;
	v30 =	vadd.f32 v18, v16;
	v17 =	vld.idx.msk [tilespmem:v32+s11+$0x0], $0xffff  }
0x43: {  	v26 =	vadd.s32 $0x3E, v21  }
0x44: {  	v16 =	vshll.u32 v31, $0x1;
	v9 =	vsub.f32 v8, v9;
	v14 =	vsub.f32 v10, v30  }
0x45: {  	v18 =	vmul.f32 v33, v13;
	v11 =	vmul.f32 v11, v15  }
0x46: {  	v40 =	vld.idx.msk [tilespmem:v21+s11+$0x0], $0xffff;
	v22 =	vadd.s32 $0x3E, v16;
	v9 =	vmul.f32 v9, v9;
	v14 =	vmul.f32 v14, v14  }
0x47: {  	v23 =	vor.u32 $0x1, v16;
	v12 =	vmul.f32 v12, v15;
	v17 =	vmul.f32 v17, v13  }
0x48: {  	v42 =	vld.idx.msk [tilespmem:v26+s11+$0x0], $0xffff;
	v29 =	vor.u32 $0x1, v21;
	v19 =	vmul.f32 v9, v4;
	v20 =	vmul.f32 v14, v5  }
0x49: {  	v25 =	vld.idx.msk [tilespmem:v16+s11+$0x0], $0xffff;
	v9 =	vmul.f32 v9, v6;
	v14 =	vmul.f32 v14, v7  }
0x4a: {  	v12 =	vadd.f32 v12, v18;
	v11 =	vadd.f32 v11, v17  }
0x4b: {  	v45 =	vmul.f32 v40, v13;
	v34 =	vld.idx.msk [tilespmem:v22+s11+$0x0], $0xffff;
	v19 =	vadd.f32 v20, v19;
	v9 =	vadd.f32 v14, v9  }
0x4c: {  	v21 =	vadd.s32 $0x3F, v21;
	v16 =	vadd.s32 $0x3F, v16;
	v36 =	vld.idx.msk [tilespmem:v23+s11+$0x0], $0xffff;
	v12 =	vsub.f32 v8, v12  }
0x4d: {  	v44 =	vld.idx.msk [tilespmem:v29+s11+$0x0], $0xffff;
	v11 =	vsub.f32 v10, v11;
	v20 =	vmax.f32 v19, $9.999999680e-21;
	v27 =	vmax.f32 v9, $9.999999680e-21  }
0x4e: {  	v38 =	vmul.f32 v25, v13;
	v25 =	vmul.f32 v42, v15;
	v24 =	vshrl.u32 v20, $0x1  }
0x4f: {  	v20 =	vmul.f32 $5.000000000e-01, v20;
	v28 =	vshrl.u32 v27, $0x1;
	v27 =	vmul.f32 $5.000000000e-01, v27  }
0x50: {  	v14 =	vmul.f32 v34, v15;
	v12 =	vmul.f32 v12, v12  }
0x51: {  	v11 =	vmul.f32 v11, v11;
	v17 =	vmul.f32 v36, v13  }
0x52: {  	v16 =	vld.idx.msk [tilespmem:v16+s11+$0x0], $0xffff;
	v13 =	vmul.f32 v44, v13;
	v24 =	vsub.s32 $0x5F3759DF, v24;
	v37 =	vsub.s32 $0x5F3759DF, v28  }
0x53: {  	v21 =	vld.idx.msk [tilespmem:v21+s11+$0x0], $0xffff;
	v35 =	vmul.f32 v24, v20;
	v39 =	vmul.f32 v37, v27  }
0x54: {  	v58 =	vadd.f32 v25, v45;
	v43 =	vmul.f32 v12, v4;
	v30 =	vmul.f32 v11, v5  }
0x55: {  	v14 =	vadd.f32 v14, v38;
	v12 =	vmul.f32 v12, v6;
	v11 =	vmul.f32 v11, v7  }
0x56: {  	v22 =	vmul.f32 v24, v35;
	v41 =	vmul.f32 v37, v39;
	v26 =	vadd.f32 v30, v43  }
0x57: {  	v16 =	vmul.f32 v16, v15;
	v11 =	vadd.f32 v11, v12;
	v14 =	vsub.f32 v8, v14  }
0x58: {  	v15 =	vmul.f32 v21, v15;
	v8 =	vsub.f32 v8, v58;
	v22 =	vsub.f32 $1.500000000e+00, v22  }
0x59: {  	v46 =	vmax.f32 v26, $9.999999680e-21;
	v48 =	vadd.f32 v16, v17;
	v14 =	vmul.f32 v14, v14  }
0x5a: {  	v13 =	vadd.f32 v15, v13;
	v8 =	vmul.f32 v8, v8;
	v28 =	vmul.f32 $5.000000000e-01, v46  }
0x5b: {  	v22 =	vmul.f32 v24, v22;
	v24 =	vsub.f32 $1.500000000e+00, v41;
	v59 =	vmul.f32 v14, v4  }
0x5c: {  	v12 =	vsub.f32 v10, v48;
	v30 =	vmul.f32 v14, v6;
	v34 =	vmul.f32 v8, v4  }
0x5d: {  	v10 =	vsub.f32 v10, v13;
	v8 =	vmul.f32 v8, v6;
	v20 =	vmul.f32 v22, v20  }
0x5e: {  	v18 =	vmul.f32 v37, v24;
	v12 =	vmul.f32 v12, v12  }
0x5f: {  	v52 =	vmax.f32 v11, $9.999999680e-21;
	v10 =	vmul.f32 v10, v10;
	v20 =	vmul.f32 v20, v22  }
0x60: {  	v47 =	vshrl.u32 v46, $0x1;
	v27 =	vmul.f32 v18, v27;
	v60 =	vmul.f32 v12, v5  }
0x61: {  	v53 =	vshrl.u32 v52, $0x1;
	v12 =	vmul.f32 v12, v7;
	v35 =	vmul.f32 v10, v5  }
0x62: {  	v10 =	vmul.f32 v10, v7;
	v20 =	vadd.f32 $-1.500000000e+00, v20;
	v63 =	vadd.f32 v60, v59  }
0x63: {  	v27 =	vmul.f32 v27, v18;
	v12 =	vadd.f32 v12, v30;
	v14 =	vadd.f32 v35, v34  }
0x64: {  	v8 =	vadd.f32 v10, v8;
	v20 =	vmul.f32 v20, v22;
	v22 =	vsub.s32 $0x5F3759DF, v47  }
0x65: {  	v51 =	vadd.f32 $-1.500000000e+00, v27;
	v31 =	vmax.f32 v63, $9.999999680e-21;
	v36 =	vmax.f32 v12, $9.999999680e-21  }
0x66: {  	v40 =	vmax.f32 v14, $9.999999680e-21;
	v42 =	vmax.f32 v8, $9.999999680e-21;
	v49 =	vmul.f32 v22, v28  }
0x67: {  	v32 =	vmul.f32 $5.000000000e-01, v31;
	v33 =	vshrl.u32 v31, $0x1;
	v21 =	vmul.f32 $5.000000000e-01, v36  }
0x68: {  	v41 =	vshrl.u32 v40, $0x1;
	v23 =	vmul.f32 $5.000000000e-01, v40;
	v25 =	vmul.f32 $5.000000000e-01, v42  }
0x69: {  	v43 =	vshrl.u32 v42, $0x1;
	v50 =	vmul.f32 v20, v19;
	v20 =	vmul.f32 $5.000000000e-01, v52  }
0x6a: {  	v18 =	vmul.f32 v51, v18;
	v13 =	vsub.s32 $0x5F3759DF, v33;
	v24 =	vsub.s32 $0x5F3759DF, v41  }
0x6b: {  	v27 =	vsub.s32 $0x5F3759DF, v43;
	v16 =	vmul.f32 v22, v49;
	v39 =	vmul.f32 v13, v32  }
0x6c: {  	v54 =	vsub.s32 $0x5F3759DF, v53;
	v44 =	vmul.f32 v24, v23;
	v45 =	vmul.f32 v27, v25  }
0x6d: {  	v17 =	vmul.f32 $1.442695020e+00, v50;
	v55 =	vmul.f32 v54, v20  }
0x6e: {  	v9 =	vmul.f32 v18, v9;
	v16 =	vsub.f32 $1.500000000e+00, v16;
	v10 =	vmul.f32 v13, v39  }
0x6f: {  	v37 =	vshrl.u32 v36, $0x1;
	v46 =	vmul.f32 v24, v44;
	v48 =	vmul.f32 v27, v45  }
0x70: {  	v38 =	vsub.s32 $0x5F3759DF, v37;
	v56 =	vmul.f32 v54, v55;
	v16 =	vmul.f32 v22, v16  }
0x71: {  	v9 =	vmul.f32 $1.442695020e+00, v9;
	v22 =	vmul.f32 v38, v21;
	v10 =	vsub.f32 $1.500000000e+00, v10  }
0x72: {  	(erf) = vpow2.f32 v17;
	v18 =	vsub.f32 $1.500000000e+00, v56;
	v57 =	vmul.f32 v16, v28  }
0x73: {  	v49 =	vsub.f32 $1.500000000e+00, v46;
	v22 =	vmul.f32 v38, v22;
	v10 =	vmul.f32 v13, v10  }
0x74: {  	v61 =	vmul.f32 v54, v18;
	v62 =	vmul.f32 v57, v16  }
0x75: {  	(erf) = vpow2.f32 v9;
	v13 =	vmul.f32 v24, v49;
	v47 =	vsub.f32 $1.500000000e+00, v22  }
0x76: {  	v52 =	vmul.f32 v10, v32;
	v18 =	vmul.f32 v61, v20;
	v9 =	vadd.f32 $-1.500000000e+00, v62  }
0x77: {  	v51 =	vsub.f32 $1.500000000e+00, v48;
	v54 =	vmul.f32 v13, v23;
	v50 =	vmul.f32 v38, v47  }
0x78: {  	v18 =	vmul.f32 v18, v61;
	v9 =	vmul.f32 v9, v16  }
0x79: {  	v53 =	vmul.f32 v50, v21;
	v16 =	vmul.f32 v27, v51  }
0x7a: {  	v20 =	vmul.f32 v54, v13;
	v18 =	vadd.f32 $-1.500000000e+00, v18;
	v9 =	vmul.f32 v9, v26  }
0x7b: {  	v19 =	vmul.f32 v53, v50;
	v55 =	vmul.f32 v16, v25  }
0x7c: {  	v15 =	vmul.f32 v18, v61;
	v18 =	vmul.f32 v52, v10  }
0x7d: {  	v9 =	vmul.f32 $1.442695020e+00, v9;
	v19 =	vadd.f32 $-1.500000000e+00, v19;
	v21 =	vmul.f32 v55, v16  }
0x7e: {  	v57 =	vadd.f32 $-1.500000000e+00, v20;
	v11 =	vmul.f32 v15, v11;
	v18 =	vadd.f32 $-1.500000000e+00, v18  }
0x7f: {  	(erf) = vpow2.f32 v9;
	v58 =	vmul.f32 v19, v50;
	v59 =	vadd.f32 $-1.500000000e+00, v21  }
0x80: {  	v11 =	vmul.f32 $1.442695020e+00, v11;
	v56 =	vmul.f32 v18, v10  }
0x81: {  	v10 =	vmul.f32 v57, v13;
	v60 =	vmul.f32 v59, v16  }
0x82: {  	(erf) = vpow2.f32 v11;
	v9 =	vmul.f32 v56, v63  }
0x83: {  	v11 =	vmul.f32 v58, v12;
	v10 =	vmul.f32 v10, v14  }
0x84: {  	v8 =	vmul.f32 v60, v8;
	v9 =	vmul.f32 $1.442695020e+00, v9  }
0x85: {  	v11 =	vmul.f32 $1.442695020e+00, v11;
	v61 =	vmul.f32 $1.442695020e+00, v10  }
0x86: {  	v8 =	vmul.f32 $1.442695020e+00, v8;
	(erf) = vpow2.f32 v9  }
0x87: {  	v62 =	vld [tilespmem:s22+$0x1400];
	(erf) = vpow2.f32 v11  }
0x88: {  	v63 =	vld [tilespmem:s22+$0x1480];
	(erf) = vpow2.f32 v61  }
0x89: {  	(erf) = vpow2.f32 v8  }
0x8a: {  	v8 =	vpop (erf)  }
0x8b: {  	v16 =	vpop (erf)  }
0x8c: {  	v17 =	vpop (erf)  }
0x8d: {  	v8 =	vmul.f32 v8, v62;
	v9 =	vmul.f32 v16, v63;
	v18 =	vpop (erf)  }
0x8e: {  	v12 =	vmul.f32 v17, v62;
	v13 =	vmul.f32 v18, v63  }
0x8f: {  	v19 =	vpop (erf)  }
0x90: {  	v8 =	vadd.f32 v9, v8;
	v20 =	vadd.f32 v13, v12;
	v21 =	vpop (erf)  }
0x91: {  	v22 =	vmul.f32 v19, v62;
	v12 =	vmul.f32 v21, v63;
	v23 =	vpop (erf)  }
0x92: {  	v24 =	vadd.f32 v20, v8;
	v25 =	vpop (erf)  }
0x93: {  	v10 =	vmul.f32 v23, v62;
	v12 =	vadd.f32 v12, v22;
	v11 =	vmul.f32 v25, v63;
	_ =	sdelay $0x1  }
0x94: {  	v13 =	vadd.f32 v12, v24;
	v10 =	vadd.f32 v11, v10;
	_ =	sdelay $0x1  }
0x95: {  	v11 =	vadd.f32 v10, v13;
	_ =	sdelay $0x1  }
0x96: {  	v11 =	vmax.f32 v11, $9.999999960e-13  }
0x97: {  	(erf) = vrcp.f32 v11;
	_ =	sdelay $0x8  }
0x98: {  	s26 =	sand.u32 $0x600, s17;
	v11 =	vpop (erf)  }
0x99: {  	s22 =	sor.u32 $0x1880, s26;
	v8 =	vmul.f32 v11, v8  }
0x9a: {  	s28 =	sor.u32 s21, s22;
	v9 =	vmul.f32 v11, v20  }
0x9b: {  	v26 =	vmul.f32 v11, v10;
	[tilespmem:s28+$0x0] =	vst v8  }
0x9c: {  	v8 =	vmul.f32 v11, v12;
	[tilespmem:s28+$0x80] =	vst v9  }
0x9d: {  	s21 =	sor.u32 $0x10, s21;
	[tilespmem:s28+$0x180] =	vst v26  }
0x9e: {  	s29 =	sor.u32 s21, s19;
	[tilespmem:s28+$0x100] =	vst v8  }
0x9f: {  	v8 =	vld [tilespmem:s29+$0x0]  }
0xa0: {  	v9 =	vld [tilespmem:s29+$0x80]  }
0xa1: {  	v28 =	vld [tilespmem:s29+$0x100];
	_ =	sdelay $0x2  }
0xa2: {  	v8 =	vshll.u32 v8, $0x1  }
0xa3: {  	s30 =	sor.u32 s20, s21;
	v9 =	vshll.u32 v9, $0x1  }
0xa4: {  	v13 =	vld [tilespmem:s30+$0x1000];
	v11 =	vshll.u32 v28, $0x1  }
0xa5: {  	v15 =	vld [tilespmem:s30+$0x1080];
	v27 =	vor.u32 $0x1, v8  }
0xa6: {  	v41 =	vld [tilespmem:s29+$0x200];
	v29 =	vadd.s32 $0x3E, v8  }
0xa7: {  	v30 =	vadd.s32 $0x3F, v8;
	v8 =	vld.idx.msk [tilespmem:v8+s11+$0x0], $0xffff  }
0xa8: {  	v31 =	vor.u32 $0x1, v9;
	v32 =	vadd.s32 $0x3E, v9;
	v33 =	vadd.s32 $0x3F, v9;
	v9 =	vld.idx.msk [tilespmem:v9+s11+$0x0], $0xffff  }
0xa9: {  	v38 =	vld.idx.msk [tilespmem:v11+s11+$0x0], $0xffff  }
0xaa: {  	v10 =	vld.idx.msk [tilespmem:v27+s11+$0x0], $0xffff  }
0xab: {  	v12 =	vld.idx.msk [tilespmem:v29+s11+$0x0], $0xffff  }
0xac: {  	v14 =	vld.idx.msk [tilespmem:v30+s11+$0x0], $0xffff  }
0xad: {  	v16 =	vld.idx.msk [tilespmem:v31+s11+$0x0], $0xffff  }
0xae: {  	v17 =	vld.idx.msk [tilespmem:v32+s11+$0x0], $0xffff  }
0xaf: {  	v34 =	vadd.s32 $0x3E, v11;
	v37 =	vor.u32 $0x1, v11;
	v11 =	vadd.s32 $0x3F, v11;
	v18 =	vld.idx.msk [tilespmem:v33+s11+$0x0], $0xffff;
	_ =	sdelay $0x1  }
0xb0: {  	v8 =	vmul.f32 v8, v13;
	v9 =	vmul.f32 v9, v13  }
0xb1: {  	v36 =	vld [tilespmem:s29+$0x180];
	v12 =	vmul.f32 v12, v15;
	v10 =	vmul.f32 v10, v13  }
0xb2: {  	v14 =	vmul.f32 v14, v15;
	v17 =	vmul.f32 v17, v15  }
0xb3: {  	v21 =	vshll.u32 v41, $0x1;
	v11 =	vld.idx.msk [tilespmem:v11+s11+$0x0], $0xffff;
	v16 =	vmul.f32 v16, v13;
	v18 =	vmul.f32 v18, v15  }
0xb4: {  	v48 =	vadd.s32 $0x3E, v21;
	v8 =	vadd.f32 v12, v8;
	v10 =	vadd.f32 v14, v10;
	v12 =	vld.idx.msk [tilespmem:v34+s11+$0x0], $0xffff  }
0xb5: {  	v9 =	vadd.f32 v17, v9;
	v35 =	vadd.f32 v18, v16;
	v17 =	vld.idx.msk [tilespmem:v37+s11+$0x0], $0xffff  }
0xb6: {  	v16 =	vshll.u32 v36, $0x1  }
0xb7: {  	v9 =	vsub.f32 v8, v9;
	v14 =	vsub.f32 v10, v35  }
0xb8: {  	v55 =	vld.idx.msk [tilespmem:v21+s11+$0x0], $0xffff;
	v18 =	vmul.f32 v38, v13;
	v42 =	vadd.s32 $0x3E, v16;
	v11 =	vmul.f32 v11, v15  }
0xb9: {  	v58 =	vld.idx.msk [tilespmem:v48+s11+$0x0], $0xffff;
	v43 =	vor.u32 $0x1, v16;
	v9 =	vmul.f32 v9, v9;
	v14 =	vmul.f32 v14, v14  }
0xba: {  	v56 =	vor.u32 $0x1, v21;
	v12 =	vmul.f32 v12, v15;
	v17 =	vmul.f32 v17, v13  }
0xbb: {  	v45 =	vld.idx.msk [tilespmem:v16+s11+$0x0], $0xffff;
	v39 =	vmul.f32 v9, v4;
	v40 =	vmul.f32 v14, v5  }
0xbc: {  	v21 =	vadd.s32 $0x3F, v21;
	v9 =	vmul.f32 v9, v6;
	v14 =	vmul.f32 v14, v7  }
0xbd: {  	v62 =	vmul.f32 v55, v13;
	v46 =	vld.idx.msk [tilespmem:v42+s11+$0x0], $0xffff;
	v12 =	vadd.f32 v12, v18;
	v11 =	vadd.f32 v11, v17  }
0xbe: {  	v25 =	vmul.f32 v58, v15;
	v51 =	vld.idx.msk [tilespmem:v43+s11+$0x0], $0xffff;
	v19 =	vadd.f32 v40, v39;
	v9 =	vadd.f32 v14, v9  }
0xbf: {  	v61 =	vld.idx.msk [tilespmem:v56+s11+$0x0], $0xffff;
	v16 =	vadd.s32 $0x3F, v16;
	v12 =	vsub.f32 v8, v12;
	v11 =	vsub.f32 v10, v11  }
0xc0: {  	v20 =	vmax.f32 v19, $9.999999680e-21;
	v49 =	vmax.f32 v9, $9.999999680e-21;
	v53 =	vmul.f32 v45, v13  }
0xc1: {  	v44 =	vshrl.u32 v20, $0x1;
	v20 =	vmul.f32 $5.000000000e-01, v20;
	v27 =	vmul.f32 $5.000000000e-01, v49  }
0xc2: {  	v14 =	vmul.f32 v46, v15;
	v12 =	vmul.f32 v12, v12  }
0xc3: {  	v50 =	vshrl.u32 v49, $0x1;
	v11 =	vmul.f32 v11, v11;
	v17 =	vmul.f32 v51, v13  }
0xc4: {  	v16 =	vld.idx.msk [tilespmem:v16+s11+$0x0], $0xffff;
	v13 =	vmul.f32 v61, v13;
	v24 =	vsub.s32 $0x5F3759DF, v44;
	v52 =	vsub.s32 $0x5F3759DF, v50  }
0xc5: {  	v21 =	vld.idx.msk [tilespmem:v21+s11+$0x0], $0xffff;
	v47 =	vmul.f32 v24, v20;
	v54 =	vmul.f32 v52, v27  }
0xc6: {  	v43 =	vadd.f32 v25, v62;
	v59 =	vmul.f32 v12, v4;
	v60 =	vmul.f32 v11, v5  }
0xc7: {  	v14 =	vadd.f32 v14, v53;
	v12 =	vmul.f32 v12, v6;
	v11 =	vmul.f32 v11, v7  }
0xc8: {  	v22 =	vmul.f32 v24, v47;
	v57 =	vmul.f32 v52, v54;
	v26 =	vadd.f32 v60, v59  }
0xc9: {  	v16 =	vmul.f32 v16, v15;
	v11 =	vadd.f32 v11, v12;
	v14 =	vsub.f32 v8, v14  }
0xca: {  	v15 =	vmul.f32 v21, v15;
	v8 =	vsub.f32 v8, v43;
	v22 =	vsub.f32 $1.500000000e+00, v22  }
0xcb: {  	v63 =	vmax.f32 v26, $9.999999680e-21;
	v33 =	vadd.f32 v16, v17;
	v14 =	vmul.f32 v14, v14  }
0xcc: {  	v13 =	vadd.f32 v15, v13;
	v8 =	vmul.f32 v8, v8;
	v28 =	vmul.f32 $5.000000000e-01, v63  }
0xcd: {  	v22 =	vmul.f32 v24, v22;
	v24 =	vsub.f32 $1.500000000e+00, v57;
	v44 =	vmul.f32 v14, v4  }
0xce: {  	v12 =	vsub.f32 v10, v33;
	v49 =	vmul.f32 v14, v6;
	v53 =	vmul.f32 v8, v4  }
0xcf: {  	v10 =	vsub.f32 v10, v13;
	v8 =	vmul.f32 v8, v6;
	v20 =	vmul.f32 v22, v20  }
0xd0: {  	v18 =	vmul.f32 v52, v24;
	v12 =	vmul.f32 v12, v12  }
0xd1: {  	v37 =	vmax.f32 v11, $9.999999680e-21;
	v10 =	vmul.f32 v10, v10;
	v20 =	vmul.f32 v20, v22  }
0xd2: {  	v32 =	vshrl.u32 v63, $0x1;
	v27 =	vmul.f32 v18, v27;
	v45 =	vmul.f32 v12, v5  }
0xd3: {  	v38 =	vshrl.u32 v37, $0x1;
	v12 =	vmul.f32 v12, v7;
	v54 =	vmul.f32 v10, v5  }
0xd4: {  	v10 =	vmul.f32 v10, v7;
	v20 =	vadd.f32 $-1.500000000e+00, v20;
	v48 =	vadd.f32 v45, v44  }
0xd5: {  	v27 =	vmul.f32 v27, v18;
	v12 =	vadd.f32 v12, v49;
	v14 =	vadd.f32 v54, v53  }
0xd6: {  	v8 =	vadd.f32 v10, v8;
	v20 =	vmul.f32 v20, v22;
	v22 =	vsub.s32 $0x5F3759DF, v32  }
0xd7: {  	v36 =	vadd.f32 $-1.500000000e+00, v27;
	v50 =	vmax.f32 v48, $9.999999680e-21;
	v55 =	vmax.f32 v12, $9.999999680e-21  }
0xd8: {  	v59 =	vmax.f32 v14, $9.999999680e-21;
	v61 =	vmax.f32 v8, $9.999999680e-21;
	v34 =	vmul.f32 v22, v28  }
0xd9: {  	v51 =	vmul.f32 $5.000000000e-01, v50;
	v52 =	vshrl.u32 v50, $0x1;
	v21 =	vmul.f32 $5.000000000e-01, v55  }
0xda: {  	v60 =	vshrl.u32 v59, $0x1;
	v23 =	vmul.f32 $5.000000000e-01, v59;
	v25 =	vmul.f32 $5.000000000e-01, v61  }
0xdb: {  	v62 =	vshrl.u32 v61, $0x1;
	v35 =	vmul.f32 v20, v19;
	v20 =	vmul.f32 $5.000000000e-01, v37  }
0xdc: {  	v18 =	vmul.f32 v36, v18;
	v13 =	vsub.s32 $0x5F3759DF, v52;
	v24 =	vsub.s32 $0x5F3759DF, v60  }
0xdd: {  	v27 =	vsub.s32 $0x5F3759DF, v62;
	v16 =	vmul.f32 v22, v34;
	v58 =	vmul.f32 v13, v51  }
0xde: {  	v39 =	vsub.s32 $0x5F3759DF, v38;
	v63 =	vmul.f32 v24, v23;
	v32 =	vmul.f32 v27, v25  }
0xdf: {  	v17 =	vmul.f32 $1.442695020e+00, v35;
	v40 =	vmul.f32 v39, v20  }
0xe0: {  	v9 =	vmul.f32 v18, v9;
	v16 =	vsub.f32 $1.500000000e+00, v16;
	v10 =	vmul.f32 v13, v58  }
0xe1: {  	v56 =	vshrl.u32 v55, $0x1;
	v33 =	vmul.f32 v24, v63;
	v35 =	vmul.f32 v27, v32  }
0xe2: {  	v57 =	vsub.s32 $0x5F3759DF, v56;
	v41 =	vmul.f32 v39, v40;
	v16 =	vmul.f32 v22, v16  }
0xe3: {  	v9 =	vmul.f32 $1.442695020e+00, v9;
	v22 =	vmul.f32 v57, v21;
	v10 =	vsub.f32 $1.500000000e+00, v10  }
0xe4: {  	(erf) = vpow2.f32 v17;
	v18 =	vsub.f32 $1.500000000e+00, v41;
	v42 =	vmul.f32 v16, v28  }
0xe5: {  	v36 =	vsub.f32 $1.500000000e+00, v33;
	v22 =	vmul.f32 v57, v22;
	v10 =	vmul.f32 v13, v10  }
0xe6: {  	v46 =	vmul.f32 v39, v18;
	v47 =	vmul.f32 v42, v16  }
0xe7: {  	(erf) = vpow2.f32 v9;
	v13 =	vmul.f32 v24, v36;
	v34 =	vsub.f32 $1.500000000e+00, v22  }
0xe8: {  	v39 =	vmul.f32 v10, v51;
	v18 =	vmul.f32 v46, v20;
	v9 =	vadd.f32 $-1.500000000e+00, v47  }
0xe9: {  	v38 =	vsub.f32 $1.500000000e+00, v35;
	v41 =	vmul.f32 v13, v23;
	v37 =	vmul.f32 v57, v34  }
0xea: {  	v18 =	vmul.f32 v18, v46;
	v9 =	vmul.f32 v9, v16  }
0xeb: {  	v40 =	vmul.f32 v37, v21;
	v16 =	vmul.f32 v27, v38  }
0xec: {  	v20 =	vmul.f32 v41, v13;
	v18 =	vadd.f32 $-1.500000000e+00, v18;
	v9 =	vmul.f32 v9, v26  }
0xed: {  	v19 =	vmul.f32 v40, v37;
	v42 =	vmul.f32 v16, v25  }
0xee: {  	v15 =	vmul.f32 v18, v46;
	v18 =	vmul.f32 v39, v10  }
0xef: {  	v9 =	vmul.f32 $1.442695020e+00, v9;
	v19 =	vadd.f32 $-1.500000000e+00, v19;
	v21 =	vmul.f32 v42, v16  }
0xf0: {  	v44 =	vadd.f32 $-1.500000000e+00, v20;
	v11 =	vmul.f32 v15, v11;
	v18 =	vadd.f32 $-1.500000000e+00, v18  }
0xf1: {  	(erf) = vpow2.f32 v9;
	v45 =	vmul.f32 v19, v37;
	v46 =	vadd.f32 $-1.500000000e+00, v21  }
0xf2: {  	v11 =	vmul.f32 $1.442695020e+00, v11;
	v43 =	vmul.f32 v18, v10  }
0xf3: {  	v10 =	vmul.f32 v44, v13;
	v47 =	vmul.f32 v46, v16  }
0xf4: {  	(erf) = vpow2.f32 v11;
	v9 =	vmul.f32 v43, v48  }
0xf5: {  	v11 =	vmul.f32 v45, v12;
	v10 =	vmul.f32 v10, v14  }
0xf6: {  	v8 =	vmul.f32 v47, v8;
	v9 =	vmul.f32 $1.442695020e+00, v9  }
0xf7: {  	v11 =	vmul.f32 $1.442695020e+00, v11;
	v48 =	vmul.f32 $1.442695020e+00, v10  }
0xf8: {  	v8 =	vmul.f32 $1.442695020e+00, v8;
	(erf) = vpow2.f32 v9  }
0xf9: {  	v49 =	vld [tilespmem:s30+$0x1400];
	(erf) = vpow2.f32 v11  }
0xfa: {  	v50 =	vld [tilespmem:s30+$0x1480];
	(erf) = vpow2.f32 v48  }
0xfb: {  	(erf) = vpow2.f32 v8  }
0xfc: {  	v8 =	vpop (erf)  }
0xfd: {  	v51 =	vpop (erf)  }
0xfe: {  	v52 =	vpop (erf)  }
0xff: {  	v8 =	vmul.f32 v8, v49;
	v9 =	vmul.f32 v51, v50;
	v53 =	vpop (erf)  }
0x100: {  	v12 =	vmul.f32 v52, v49;
	v13 =	vmul.f32 v53, v50  }
0x101: {  	v54 =	vpop (erf)  }
0x102: {  	v8 =	vadd.f32 v9, v8;
	v56 =	vadd.f32 v13, v12;
	v55 =	vpop (erf)  }
0x103: {  	v58 =	vmul.f32 v54, v49;
	v57 =	vpop (erf);
	v59 =	vmul.f32 v55, v50  }
0x104: {  	v60 =	vadd.f32 v56, v8;
	v61 =	vpop (erf)  }
0x105: {  	v10 =	vmul.f32 v57, v49;
	v13 =	vadd.f32 v59, v58;
	v11 =	vmul.f32 v61, v50;
	_ =	sdelay $0x1  }
0x106: {  	v62 =	vadd.f32 v13, v60;
	v10 =	vadd.f32 v11, v10;
	_ =	sdelay $0x1  }
0x107: {  	v11 =	vadd.f32 v10, v62;
	_ =	sdelay $0x1  }
0x108: {  	v11 =	vmax.f32 v11, $9.999999960e-13  }
0x109: {  	(erf) = vrcp.f32 v11;
	_ =	sdelay $0x8  }
0x10a: {  	v11 =	vpop (erf)  }
0x10b: {  	p0 =	slt.u32 s16, $0x1E;
	v8 =	vmul.f32 v11, v8  }
.Ltmp0:
0x10c: {  	s31 =	sor.u32 s21, s22;
	v9 =	vmul.f32 v11, v56;
	(pc) =	sbr.rel @p0 .LBB2_2-.Ltmp0, $4  }
0x10d: {  	v63 =	vmul.f32 v11, v10;
	[tilespmem:s31+$0x0] =	vst v8  }
0x10e: {  	v8 =	vmul.f32 v11, v13;
	[tilespmem:s31+$0x80] =	vst v9  }
0x10f: {  	[tilespmem:s31+$0x180] =	vst v63  }
0x110: {  	s18 =	sadd.s32 $0x20, s18;
	s17 =	sadd.s32 $0x80, s17;
	[tilespmem:s31+$0x100] =	vst v8  }
0x111: {  	s15 =	sadd.s32 $0x1, s15  }
0x112: {  	p0 =	sne.s32 s15, s8  }
.Ltmp1:
0x113: {  	_ = 	snop;
	(pc) =	sbr.rel @p0 .LBB2_1-.Ltmp1, $4  }
0x114: {  	[hbm4b:s7+s2] =	stream.linear.scatter [tilespmem:s13], [sflag:$0x2], $0x800, $0x38;
	[tilespmem:$0x2080] =	vst v63  }
0x115: {  	_ =	swait.ge [sflag:s14], $0x800  }
0x116: {  	[sflag:s14] =	ssyncset.done $0x0  }
0x117: {  	[sflag:s14] =	ssyncadd.s32 $0xFFFFF800  }
0x118: {  	_ =	sfence.sel $0x180000  }
0x119: {  	[bflag:$0x0] =	sbarrier.arrive $0xFFFF  }
0x11a: {  	p0 =	sne.s32 s1, $0x0;
	_ =	strace $0x90000047  }
0x11b: {  	s0 =	sadd.s32 @!p0 $0x100000, s0;
	[bflag:$0x2] =	sbarrier.arrive $0xFFFF  }
0x11c: {  	[sflag:s0] =	ssyncadd.tile.s32 @!p0 $0x1;
	_ =	shalt  }
.Lfunc_end2:
_tile_overlayer_lowered:
.L_overlay_start_2:
0x11d: {  	(tag) =	ssettag $0x2  }
0x11e: {  	s0 =	rddreg [dreg:$0x0];
	s2 =	stileid.u32  }
0x11f: {  	s1 =	rddreg [dreg:$0x1];
	p0 =	sne.s32 s2, $0x0  }
0x120: {  	s3 =	rddreg [dreg:$0x2];
	[bflag:$0x3] =	sbarrier.arrive $0xFFFF;
	s2 =	simm.s32 @!p0 $0x1C02  }
0x121: {  	[timem:s3], [sflag:s2] =	dma.local @!p0 [hbm:s0], s1  }
0x122: {  	s0 =	simm.s32 @!p0 $0x2  }
0x123: {  	_ =	swait.ge @!p0 [sflag:s0], s1  }
0x124: {  	s1 =	ssub.s32 @!p0 $0x0, s1;
	[sflag:s0] =	ssyncset.done @!p0 $0x0  }
0x125: {  	[sflag:s0] =	ssyncadd.s32 @!p0 s1  }
0x126: {  	[bflag:$0x3] =	sbarrier.arrive $0xFFFF  }
0x127: {  	_ =	shalt  }

</sc_bundles>
